<compile_context>
chip_gen: v7x
topology: tpu7x:2x2x1
jax: 0.10.2.dev20260603
libtpu: 0.0.44.dev20260713+nightly
codegen_flags: <defaults>
</compile_context>

<pallas_src>
import functools

import jax
import jax.numpy as jnp
from jax import lax
from jax.experimental import pallas as pl
from jax.experimental.pallas import tpu as pltpu
from jax.experimental.pallas import tpu_sc as plsc

HID = 128
_NC, _NS = 2, 16
_NW = _NC * _NS
_LN_EPS = 1e-5



def _contract(x, w):
    return lax.dot_general(x, w, (((1,), (1,)), ((), ())),
                           preferred_element_type=jnp.float32)


def _make_encode_body(blk, iblk, nreal, nseg, tmask):
    def body(h_ref, a_ref, w1_ref, b1_ref, w2_ref, g1_ref, bb1_ref,
             w3_ref, g2_ref, bb2_ref, e01_ref, le_ref, pe_ref,
             xval_ref, m_ref, oidx_ref, iidx_ref):
        i = pl.program_id(0)
        h = h_ref[...]
        a_col = a_ref[...].reshape(blk, 1)
        hext = jnp.concatenate([h, a_col], axis=1)
        t = jnp.maximum(_contract(hext, w1_ref[...]) + b1_ref[...], 0.0)
        u = _contract(t, w2_ref[...])
        mu = jnp.mean(u, axis=1, keepdims=True)
        var = jnp.mean(u * u, axis=1, keepdims=True) - mu * mu
        xv = (u - mu) * lax.rsqrt(var + _LN_EPS) * g1_ref[...] + bb1_ref[...]
        xval_ref[...] = xv
        y = _contract(xv, w3_ref[...])
        mu2 = jnp.mean(y, axis=1, keepdims=True)
        var2 = jnp.mean(y * y, axis=1, keepdims=True) - mu2 * mu2
        m = (y - mu2) * lax.rsqrt(var2 + _LN_EPS) * g2_ref[...] + bb2_ref[...]
        m_ref[...] = m.reshape(4 * blk, HID)

        absrow = (lax.broadcasted_iota(jnp.int32, (iblk, _CH), 0) + i * iblk)
        lane = lax.broadcasted_iota(jnp.int32, (iblk, _CH), 1)
        real = absrow < nreal
        e01 = e01_ref[...]
        og = e01[1] * 4 + le_ref[...] * 2 + pe_ref[...]
        opad = (absrow * 2731 + lane * 997) & tmask
        oidx_ref[...] = jnp.where(real, og, opad)
        iidx_ref[...] = jnp.where(real, e01[0], nseg + lane)
    return body


def _encode(h_val, assign, W1, b1, W2, ln1_g, ln1_b, W3, ln2_g, ln2_b,
            c3, LEr, PEr, ntot):
    n = h_val.shape[0]
    nreal = c3.shape[1]
    blk = 1000
    assert n % blk == 0
    grid = (n // blk,)
    iblk = ntot // (n // blk)
    assert iblk * (n // blk) == ntot and iblk % 8 == 0
    tmask = 16383
    assert tmask < 4 * n
    row = lambda i: (i, 0)
    full = lambda i: (0, 0)
    idx_spec = pl.BlockSpec((iblk, _CH), row)
    x_val, m4, oidx, iidx = pl.pallas_call(
        _make_encode_body(blk, iblk, nreal, n, tmask),
        grid=grid,
        in_specs=[
            pl.BlockSpec((blk, HID), row),
            pl.BlockSpec((1, 1, blk), lambda i: (i, 0, 0)),
            pl.BlockSpec((HID, HID + 1), full),
            pl.BlockSpec((1, HID), full),
            pl.BlockSpec((HID, HID), full),
            pl.BlockSpec((1, HID), full),
            pl.BlockSpec((1, HID), full),
            pl.BlockSpec((4 * HID, HID), full),
            pl.BlockSpec((1, 4 * HID), full),
            pl.BlockSpec((1, 4 * HID), full),
            pl.BlockSpec((2, iblk, _CH), lambda i: (0, i, 0)),
            idx_spec,
            idx_spec,
        ],
        out_specs=[
            pl.BlockSpec((blk, HID), row),
            pl.BlockSpec((4 * blk, HID), row),
            idx_spec,
            idx_spec,
        ],
        out_shape=[
            jax.ShapeDtypeStruct((n, HID), jnp.float32),
            jax.ShapeDtypeStruct((4 * n, HID), jnp.float32),
            jax.ShapeDtypeStruct((ntot, _CH), jnp.int32),
            jax.ShapeDtypeStruct((ntot, _CH), jnp.int32),
        ],
    )(h_val, assign.reshape(n // blk, 1, blk), W1, b1.reshape(1, HID),
      W2, ln1_g.reshape(1, HID), ln1_b.reshape(1, HID),
      W3, ln2_g.reshape(1, 4 * HID), ln2_b.reshape(1, 4 * HID),
      c3, LEr, PEr)
    return x_val, m4, oidx, iidx



_CH = 128


def _sc_pad_geometry(E, nseg):
    nreal = -(-E // _CH)
    cpw = (-(-nreal // _NW) + 7) & ~7
    return cpw, cpw * _NW


@functools.lru_cache(maxsize=None)
def _make_sc(E, nseg):
    assert E % _CH == 0
    cpw, ntot = _sc_pad_geometry(E, nseg)
    assert cpw % 2 == 0 and cpw >= 4
    seg_pw = (nseg // _NS) & ~7
    seg_rem = nseg - seg_pw * _NS
    assert seg_rem % 8 == 0
    nz_full = seg_pw // _CH
    nz_rem = seg_pw - nz_full * _CH

    mesh = plsc.VectorSubcoreMesh(core_axis_name="c", subcore_axis_name="s",
                                  num_cores=_NC, num_subcores=_NS)

    nstage = 2
    assert cpw % nstage == 0
    hpw = cpw // nstage
    assert hpw % 8 == 0 and hpw % 2 == 0 and hpw >= 4

    scratch = [
        pltpu.VMEM((hpw, _CH), jnp.int32),
        pltpu.VMEM((hpw, _CH), jnp.int32),
        pltpu.VMEM((_CH, HID), jnp.float32),
        pltpu.VMEM((_CH, HID), jnp.float32),
        pltpu.VMEM_SHARED((nseg + 128, HID), jnp.float32),
        pltpu.SemaphoreType.DMA,
        pltpu.SemaphoreType.DMA,
    ]

    @functools.partial(
        pl.kernel,
        mesh=mesh,
        out_type=jax.ShapeDtypeStruct((_NC * nseg, HID), jnp.float32),
        scratch_types=scratch,
    )
    def sc_kernel(mval_hbm, oidx_hbm, iidx_hbm, out_hbm,
                  vo, vi, rows0, rows1, acc, sem0, sem1):
        cid = lax.axis_index("c")
        sid = lax.axis_index("s")
        wid = sid * _NC + cid

        def zrow(r, _):
            for k in range(HID // 16):
                rows0[r, pl.ds(k * 16, 16)] = jnp.zeros((16,), jnp.float32)
            return 0
        lax.fori_loop(0, _CH, zrow, 0)
        base_seg = pl.multiple_of(sid * seg_pw, 8)
        zcopies = []
        for t in range(nz_full):
            zcopies.append(pltpu.make_async_copy(
                rows0, acc.at[pl.ds(base_seg + t * _CH, _CH)], sem0))
        if nz_rem:
            zcopies.append(pltpu.make_async_copy(
                rows0.at[pl.ds(0, nz_rem)],
                acc.at[pl.ds(base_seg + nz_full * _CH, nz_rem)], sem0))
        for zc in zcopies:
            zc.start()
        if seg_rem:
            @pl.when(sid == 0)
            def _():
                pltpu.sync_copy(rows0.at[pl.ds(0, seg_rem)],
                                acc.at[pl.ds(_NS * seg_pw, seg_rem)])

        def gstart(j, rows_b, sem_b):
            pltpu.async_copy(mval_hbm.at[vo.at[j]], rows_b, sem_b)

        def gwait(j, rows_b, sem_b):
            pltpu.make_async_copy(mval_hbm.at[vo.at[j]], rows_b, sem_b).wait()

        def scat(j, rows_b):
            pltpu.sync_copy(rows_b, acc.at[vi.at[j]], add=True)

        row0 = pl.multiple_of(wid * cpw, 8)
        for h in range(nstage):
            base_row = pl.multiple_of(row0 + h * hpw, 8)
            pltpu.sync_copy(oidx_hbm.at[pl.ds(base_row, hpw)], vo)
            pltpu.sync_copy(iidx_hbm.at[pl.ds(base_row, hpw)], vi)
            if h == 0:
                for zc in zcopies:
                    zc.wait()
                plsc.subcore_barrier()
            gstart(0, rows0, sem0)

            def body(p, _):
                j1 = 2 * p + 1
                gstart(j1, rows1, sem1)
                gwait(2 * p, rows0, sem0)
                scat(2 * p, rows0)
                gstart(j1 + 1, rows0, sem0)
                gwait(j1, rows1, sem1)
                scat(j1, rows1)
                return 0
            lax.fori_loop(0, hpw // 2 - 1, body, 0)

            gstart(hpw - 1, rows1, sem1)
            gwait(hpw - 2, rows0, sem0)
            scat(hpw - 2, rows0)
            gwait(hpw - 1, rows1, sem1)
            scat(hpw - 1, rows1)

        plsc.subcore_barrier()
        out_base = pl.multiple_of(cid * nseg + base_seg, 8)
        pltpu.sync_copy(acc.at[pl.ds(base_seg, seg_pw)],
                        out_hbm.at[pl.ds(out_base, seg_pw)])
        if seg_rem:
            @pl.when(sid == 0)
            def _():
                rem_base = pl.multiple_of(cid * nseg + _NS * seg_pw, 8)
                pltpu.sync_copy(acc.at[pl.ds(_NS * seg_pw, seg_rem)],
                                out_hbm.at[pl.ds(rem_base, seg_rem)])

    return sc_kernel



def _add_body(p_ref, o_ref):
    o_ref[...] = p_ref[0] + p_ref[1]


def _add_partials(partials, n):
    blk = 2000
    return pl.pallas_call(
        _add_body,
        grid=(n // blk,),
        in_specs=[pl.BlockSpec((2, blk, HID), lambda i: (0, i, 0))],
        out_specs=pl.BlockSpec((blk, HID), lambda i: (i, 0)),
        out_shape=jax.ShapeDtypeStruct((n, HID), jnp.float32),
    )(partials)



def kernel(h_val, assign, cst_edges, LE, PE, num_val, num_cst,
           W1, b1, W2, ln1_g, ln1_b, W3, ln2_g, ln2_b):
    n = h_val.shape[0]
    E = cst_edges.shape[1]
    cpw, ntot = _sc_pad_geometry(E, n)
    nreal = E // _CH
    c3 = cst_edges.astype(jnp.int32).reshape(2, nreal, _CH)
    LEr = LE.astype(jnp.int32).reshape(nreal, _CH)
    PEr = PE.astype(jnp.int32).reshape(nreal, _CH)
    x_val, m_val, oidx, iidx = _encode(h_val, assign, W1, b1, W2,
                                       ln1_g, ln1_b, W3, ln2_g, ln2_b,
                                       c3, LEr, PEr, ntot)
    partials = _make_sc(E, n)(m_val, oidx, iidx)
    r_cst = _add_partials(partials.reshape(2, n, HID), n)
    return (r_cst, x_val)

# --- scband reference (transcript-rebuilt; emitter-appended) ---
"""Pipeline reference for scband-val2-cst-layer-38190849196759 (READ-ONLY COPY).

The authoritative reference and input builder live on the scoring server;
editing this copy changes nothing except your own understanding.
"""

import jax, jax.numpy as jnp
import numpy as np

HID = 128

def layernorm(x, g, b, eps=1e-5):
    mu = jnp.mean(x, axis=-1, keepdims=True)
    var = jnp.var(x, axis=-1, keepdims=True)
    return (x - mu) / jnp.sqrt(var + eps) * g + b

def setup_inputs(seed: int = 0) -> dict:
    key = jax.random.key(seed)
    ks = jax.random.split(key, 10)
    num_val = 10000
    num_cst = 10000
    E = 320000
    h_val = jax.random.normal(ks[0], (num_val, HID), dtype=jnp.float32)
    assign = jax.random.uniform(ks[1], (num_val,), dtype=jnp.float32)
    cst_edges = jax.random.randint(ks[2], (2, E), 0, num_val, dtype=jnp.int64) if jax.config.jax_enable_x64 else jax.random.randint(ks[2], (2, E), 0, num_val, dtype=jnp.int32)
    LE = jax.random.randint(ks[3], (E,), 0, 2)
    PE = jax.random.randint(ks[4], (E,), 0, 2)
    s1 = 1.0 / np.sqrt(HID + 1)
    W1 = jax.random.uniform(ks[5], (HID, HID + 1), minval=-s1, maxval=s1, dtype=jnp.float32)
    b1 = jax.random.uniform(ks[6], (HID,), minval=-s1, maxval=s1, dtype=jnp.float32)
    s2 = 1.0 / np.sqrt(HID)
    W2 = jax.random.uniform(ks[7], (HID, HID), minval=-s2, maxval=s2, dtype=jnp.float32)
    ln1_g = jnp.ones((HID,), dtype=jnp.float32)
    ln1_b = jnp.zeros((HID,), dtype=jnp.float32)
    W3 = jax.random.uniform(ks[8], (4 * HID, HID), minval=-s2, maxval=s2, dtype=jnp.float32)
    ln2_g = jnp.ones((4 * HID,), dtype=jnp.float32)
    ln2_b = jnp.zeros((4 * HID,), dtype=jnp.float32)
    return {"h_val": h_val, "assign": assign, "cst_edges": cst_edges, "LE": LE, "PE": PE,
            "num_val": num_val, "num_cst": num_cst,
            "W1": W1, "b1": b1, "W2": W2, "ln1_g": ln1_g, "ln1_b": ln1_b,
            "W3": W3, "ln2_g": ln2_g, "ln2_b": ln2_b}

def reference(h_val, assign, cst_edges, LE, PE, num_val, num_cst, W1, b1, W2, ln1_g, ln1_b, W3, ln2_g, ln2_b):
    # val_enc: Linear(HID+1 -> HID, bias) -> ReLU -> Linear(HID -> HID, no bias) -> LayerNorm
    x = jnp.concatenate([h_val, assign.reshape(-1, 1)], axis=1)
    x = jax.nn.relu(x @ W1.T + b1)
    x = x @ W2.T
    x_val = layernorm(x, ln1_g, ln1_b)
    # val_send: Linear(HID -> 4*HID, no bias) -> LayerNorm
    m = layernorm(x_val @ W3.T, ln2_g, ln2_b)
    n = h_val.shape[0]
    m_val = m.reshape(4 * n, HID)
    out_idx = 4 * cst_edges[1] + 2 * LE + PE + (num_val - num_val)
    in_idx = cst_edges[0] + (num_cst - num_cst)
    msg = jnp.take(m_val, out_idx, axis=0)
    r_cst = jax.ops.segment_sum(msg, in_idx, num_segments=n)
    return (r_cst, x_val)

if __name__ == "__main__":
    import jax
    _d = setup_inputs()
    print(jax.jit(kernel)(*tuple(_d.values())))

</pallas_src>

<mosaic_0001>
#map = affine_map<(d0, d1) -> (0, 0)>
module attributes {stable_mosaic.version = 14 : i64} {
  func.func @sc_kernel(%arg0: i32, %arg1: i32, %arg2: memref<40000x128xf32, #tpu.memory_space<hbm>>, %arg3: memref<2560x128xi32, #tpu.memory_space<hbm>>, %arg4: memref<2560x128xi32, #tpu.memory_space<hbm>>, %arg5: memref<20000x128xf32, #tpu.memory_space<hbm>>, %arg6: memref<40x128xi32, #tpu.memory_space<vmem>>, %arg7: memref<40x128xi32, #tpu.memory_space<vmem>>, %arg8: memref<128x128xf32, #tpu.memory_space<vmem>>, %arg9: memref<128x128xf32, #tpu.memory_space<vmem>>, %arg10: memref<10128x128xf32, #tpu.memory_space<vmem_shared>>, %arg11: memref<!tpu.dma_semaphore, #tpu.memory_space<semaphore_mem>>, %arg12: memref<!tpu.dma_semaphore, #tpu.memory_space<semaphore_mem>>) attributes {dimension_semantics = [#tpu.dimension_semantics<core_parallel>, #tpu.dimension_semantics<subcore_parallel>], iteration_bounds = array<i64: 2, 16>, scalar_prefetch = 0 : i64, scratch_operands = 7 : i64, tpu.core_type = #tpu.core_type<sc_vector_subcore>, window_params = [{transform_indices = #map}, {transform_indices = #map}, {transform_indices = #map}, {transform_indices = #map}]} {
    %mul3A = arith.constant 2 : i32
    %mul3A_0 = arith.muli %arg1, %mul3A : i32
    %add3A = arith.addi %mul3A_0, %arg0 : i32
    %scan3A = arith.constant 0 : i32
    %scan3A_1 = arith.constant 0 : i32
    %scan3A_2 = arith.constant 128 : i32
    %scan3A_3 = arith.addi %scan3A_1, %scan3A_2 : i32
    %scan3A_4 = arith.constant 1 : i32
    %scan3A_5 = scf.for %scan3A_163 = %scan3A_1 to %scan3A_3 step %scan3A_4 iter_args(%scan3A_164 = %scan3A) -> (i32)  : i32 {
      %broadcast_in_dim3A = arith.constant 0.000000e+00 : f32
      %broadcast_in_dim3A_165 = vector.broadcast %broadcast_in_dim3A : f32 to vector<16xf32>
      %swap3A = arith.index_cast %scan3A_163 : i32 to index
      %swap3A_166 = arith.constant 0 : index
      %swap3A_167 = tpu.vector_load %arg8[%swap3A, %swap3A_166] {strides = array<i32>} : memref<128x128xf32, #tpu.memory_space<vmem>>, vector<1x16xf32>,
      %swap3A_168 = vector.shape_cast %swap3A_167 : vector<1x16xf32> to vector<16xf32>
      %swap3A_169 = vector.shape_cast %broadcast_in_dim3A_165 : vector<16xf32> to vector<1x16xf32>
      tpu.vector_store %arg8[%swap3A, %swap3A_166], %swap3A_169 {strides = array<i32>} : memref<128x128xf32, #tpu.memory_space<vmem>>, vector<1x16xf32>,
      %broadcast_in_dim3A_170 = arith.constant 0.000000e+00 : f32
      %broadcast_in_dim3A_171 = vector.broadcast %broadcast_in_dim3A_170 : f32 to vector<16xf32>
      %swap3A_172 = arith.index_cast %scan3A_163 : i32 to index
      %swap3A_173 = arith.constant 16 : index
      %swap3A_174 = tpu.vector_load %arg8[%swap3A_172, %swap3A_173] {strides = array<i32>} : memref<128x128xf32, #tpu.memory_space<vmem>>, vector<1x16xf32>,
      %swap3A_175 = vector.shape_cast %swap3A_174 : vector<1x16xf32> to vector<16xf32>
      %swap3A_176 = vector.shape_cast %broadcast_in_dim3A_171 : vector<16xf32> to vector<1x16xf32>
      tpu.vector_store %arg8[%swap3A_172, %swap3A_173], %swap3A_176 {strides = array<i32>} : memref<128x128xf32, #tpu.memory_space<vmem>>, vector<1x16xf32>,
      %broadcast_in_dim3A_177 = arith.constant 0.000000e+00 : f32
      %broadcast_in_dim3A_178 = vector.broadcast %broadcast_in_dim3A_177 : f32 to vector<16xf32>
      %swap3A_179 = arith.index_cast %scan3A_163 : i32 to index
      %swap3A_180 = arith.constant 32 : index
      %swap3A_181 = tpu.vector_load %arg8[%swap3A_179, %swap3A_180] {strides = array<i32>} : memref<128x128xf32, #tpu.memory_space<vmem>>, vector<1x16xf32>,
      %swap3A_182 = vector.shape_cast %swap3A_181 : vector<1x16xf32> to vector<16xf32>
      %swap3A_183 = vector.shape_cast %broadcast_in_dim3A_178 : vector<16xf32> to vector<1x16xf32>
      tpu.vector_store %arg8[%swap3A_179, %swap3A_180], %swap3A_183 {strides = array<i32>} : memref<128x128xf32, #tpu.memory_space<vmem>>, vector<1x16xf32>,
      %broadcast_in_dim3A_184 = arith.constant 0.000000e+00 : f32
      %broadcast_in_dim3A_185 = vector.broadcast %broadcast_in_dim3A_184 : f32 to vector<16xf32>
      %swap3A_186 = arith.index_cast %scan3A_163 : i32 to index
      %swap3A_187 = arith.constant 48 : index
      %swap3A_188 = tpu.vector_load %arg8[%swap3A_186, %swap3A_187] {strides = array<i32>} : memref<128x128xf32, #tpu.memory_space<vmem>>, vector<1x16xf32>,
      %swap3A_189 = vector.shape_cast %swap3A_188 : vector<1x16xf32> to vector<16xf32>
      %swap3A_190 = vector.shape_cast %broadcast_in_dim3A_185 : vector<16xf32> to vector<1x16xf32>
      tpu.vector_store %arg8[%swap3A_186, %swap3A_187], %swap3A_190 {strides = array<i32>} : memref<128x128xf32, #tpu.memory_space<vmem>>, vector<1x16xf32>,
      %broadcast_in_dim3A_191 = arith.constant 0.000000e+00 : f32
      %broadcast_in_dim3A_192 = vector.broadcast %broadcast_in_dim3A_191 : f32 to vector<16xf32>
      %swap3A_193 = arith.index_cast %scan3A_163 : i32 to index
      %swap3A_194 = arith.constant 64 : index
      %swap3A_195 = tpu.vector_load %arg8[%swap3A_193, %swap3A_194] {strides = array<i32>} : memref<128x128xf32, #tpu.memory_space<vmem>>, vector<1x16xf32>,
      %swap3A_196 = vector.shape_cast %swap3A_195 : vector<1x16xf32> to vector<16xf32>
      %swap3A_197 = vector.shape_cast %broadcast_in_dim3A_192 : vector<16xf32> to vector<1x16xf32>
      tpu.vector_store %arg8[%swap3A_193, %swap3A_194], %swap3A_197 {strides = array<i32>} : memref<128x128xf32, #tpu.memory_space<vmem>>, vector<1x16xf32>,
      %broadcast_in_dim3A_198 = arith.constant 0.000000e+00 : f32
      %broadcast_in_dim3A_199 = vector.broadcast %broadcast_in_dim3A_198 : f32 to vector<16xf32>
      %swap3A_200 = arith.index_cast %scan3A_163 : i32 to index
      %swap3A_201 = arith.constant 80 : index
      %swap3A_202 = tpu.vector_load %arg8[%swap3A_200, %swap3A_201] {strides = array<i32>} : memref<128x128xf32, #tpu.memory_space<vmem>>, vector<1x16xf32>,
      %swap3A_203 = vector.shape_cast %swap3A_202 : vector<1x16xf32> to vector<16xf32>
      %swap3A_204 = vector.shape_cast %broadcast_in_dim3A_199 : vector<16xf32> to vector<1x16xf32>
      tpu.vector_store %arg8[%swap3A_200, %swap3A_201], %swap3A_204 {strides = array<i32>} : memref<128x128xf32, #tpu.memory_space<vmem>>, vector<1x16xf32>,
      %broadcast_in_dim3A_205 = arith.constant 0.000000e+00 : f32
      %broadcast_in_dim3A_206 = vector.broadcast %broadcast_in_dim3A_205 : f32 to vector<16xf32>
      %swap3A_207 = arith.index_cast %scan3A_163 : i32 to index
      %swap3A_208 = arith.constant 96 : index
      %swap3A_209 = tpu.vector_load %arg8[%swap3A_207, %swap3A_208] {strides = array<i32>} : memref<128x128xf32, #tpu.memory_space<vmem>>, vector<1x16xf32>,
      %swap3A_210 = vector.shape_cast %swap3A_209 : vector<1x16xf32> to vector<16xf32>
      %swap3A_211 = vector.shape_cast %broadcast_in_dim3A_206 : vector<16xf32> to vector<1x16xf32>
      tpu.vector_store %arg8[%swap3A_207, %swap3A_208], %swap3A_211 {strides = array<i32>} : memref<128x128xf32, #tpu.memory_space<vmem>>, vector<1x16xf32>,
      %broadcast_in_dim3A_212 = arith.constant 0.000000e+00 : f32
      %broadcast_in_dim3A_213 = vector.broadcast %broadcast_in_dim3A_212 : f32 to vector<16xf32>
      %swap3A_214 = arith.index_cast %scan3A_163 : i32 to index
      %swap3A_215 = arith.constant 112 : index
      %swap3A_216 = tpu.vector_load %arg8[%swap3A_214, %swap3A_215] {strides = array<i32>} : memref<128x128xf32, #tpu.memory_space<vmem>>, vector<1x16xf32>,
      %swap3A_217 = vector.shape_cast %swap3A_216 : vector<1x16xf32> to vector<16xf32>
      %swap3A_218 = vector.shape_cast %broadcast_in_dim3A_213 : vector<16xf32> to vector<1x16xf32>
      tpu.vector_store %arg8[%swap3A_214, %swap3A_215], %swap3A_218 {strides = array<i32>} : memref<128x128xf32, #tpu.memory_space<vmem>>, vector<1x16xf32>,
      %scan3A_219 = arith.constant 0 : i32
      scf.yield %scan3A_219 : i32
    }
    %scan3A_6 = arith.constant 128 : i32
    %mul3A_7 = arith.constant 624 : i32
    %mul3A_8 = arith.muli %arg1, %mul3A_7 : i32
    %multiple_of3A = tpu.assume_multiple %mul3A_8, 8 : i32
    %add3A_9 = arith.constant 0 : i32
    %add3A_10 = arith.addi %multiple_of3A, %add3A_9 : i32
    %add3A_11 = arith.constant 128 : i32
    %add3A_12 = arith.addi %multiple_of3A, %add3A_11 : i32
    %add3A_13 = arith.constant 256 : i32
    %add3A_14 = arith.addi %multiple_of3A, %add3A_13 : i32
    %add3A_15 = arith.constant 384 : i32
    %add3A_16 = arith.addi %multiple_of3A, %add3A_15 : i32
    %add3A_17 = arith.constant 512 : i32
    %add3A_18 = arith.addi %multiple_of3A, %add3A_17 : i32
    %dma_start3A = arith.constant 0 : i32
    %dma_start3A_19 = tpu.memref_slice %arg10[%add3A_10, %dma_start3A] : memref<10128x128xf32, #tpu.memory_space<vmem_shared>> -> memref<128x128xf32, #tpu.memory_space<vmem_shared>>
    %dma_start3A_20 = arith.constant 0 : i32
    %dma_start3A_21 = tpu.memref_slice %arg10[%add3A_10, %dma_start3A_20] : memref<10128x128xf32, #tpu.memory_space<vmem_shared>> -> memref<128x128xf32, #tpu.memory_space<vmem_shared>>
    tpu.enqueue_dma source(%arg8 : memref<128x128xf32, #tpu.memory_space<vmem>>) target(%dma_start3A_21 : memref<128x128xf32, #tpu.memory_space<vmem_shared>>) target_semaphore(%arg11 : memref<!tpu.dma_semaphore, #tpu.memory_space<semaphore_mem>>)
    %dma_start3A_22 = arith.constant 0 : i32
    %dma_start3A_23 = tpu.memref_slice %arg10[%add3A_12, %dma_start3A_22] : memref<10128x128xf32, #tpu.memory_space<vmem_shared>> -> memref<128x128xf32, #tpu.memory_space<vmem_shared>>
    %dma_start3A_24 = arith.constant 0 : i32
    %dma_start3A_25 = tpu.memref_slice %arg10[%add3A_12, %dma_start3A_24] : memref<10128x128xf32, #tpu.memory_space<vmem_shared>> -> memref<128x128xf32, #tpu.memory_space<vmem_shared>>
    tpu.enqueue_dma source(%arg8 : memref<128x128xf32, #tpu.memory_space<vmem>>) target(%dma_start3A_25 : memref<128x128xf32, #tpu.memory_space<vmem_shared>>) target_semaphore(%arg11 : memref<!tpu.dma_semaphore, #tpu.memory_space<semaphore_mem>>)
    %dma_start3A_26 = arith.constant 0 : i32
    %dma_start3A_27 = tpu.memref_slice %arg10[%add3A_14, %dma_start3A_26] : memref<10128x128xf32, #tpu.memory_space<vmem_shared>> -> memref<128x128xf32, #tpu.memory_space<vmem_shared>>
    %dma_start3A_28 = arith.constant 0 : i32
    %dma_start3A_29 = tpu.memref_slice %arg10[%add3A_14, %dma_start3A_28] : memref<10128x128xf32, #tpu.memory_space<vmem_shared>> -> memref<128x128xf32, #tpu.memory_space<vmem_shared>>
    tpu.enqueue_dma source(%arg8 : memref<128x128xf32, #tpu.memory_space<vmem>>) target(%dma_start3A_29 : memref<128x128xf32, #tpu.memory_space<vmem_shared>>) target_semaphore(%arg11 : memref<!tpu.dma_semaphore, #tpu.memory_space<semaphore_mem>>)
    %dma_start3A_30 = arith.constant 0 : i32
    %dma_start3A_31 = tpu.memref_slice %arg10[%add3A_16, %dma_start3A_30] : memref<10128x128xf32, #tpu.memory_space<vmem_shared>> -> memref<128x128xf32, #tpu.memory_space<vmem_shared>>
    %dma_start3A_32 = arith.constant 0 : i32
    %dma_start3A_33 = tpu.memref_slice %arg10[%add3A_16, %dma_start3A_32] : memref<10128x128xf32, #tpu.memory_space<vmem_shared>> -> memref<128x128xf32, #tpu.memory_space<vmem_shared>>
    tpu.enqueue_dma source(%arg8 : memref<128x128xf32, #tpu.memory_space<vmem>>) target(%dma_start3A_33 : memref<128x128xf32, #tpu.memory_space<vmem_shared>>) target_semaphore(%arg11 : memref<!tpu.dma_semaphore, #tpu.memory_space<semaphore_mem>>)
    %dma_start3A_34 = arith.constant 0 : i32
    %dma_start3A_35 = arith.constant 0 : i32
    %dma_start3A_36 = tpu.memref_slice %arg8[%dma_start3A_34, %dma_start3A_35] : memref<128x128xf32, #tpu.memory_space<vmem>> -> memref<112x128xf32, #tpu.memory_space<vmem>>
    %dma_start3A_37 = arith.constant 0 : i32
    %dma_start3A_38 = tpu.memref_slice %arg10[%add3A_18, %dma_start3A_37] : memref<10128x128xf32, #tpu.memory_space<vmem_shared>> -> memref<112x128xf32, #tpu.memory_space<vmem_shared>>
    %dma_start3A_39 = arith.constant 0 : i32
    %dma_start3A_40 = tpu.memref_slice %arg10[%add3A_18, %dma_start3A_39] : memref<10128x128xf32, #tpu.memory_space<vmem_shared>> -> memref<112x128xf32, #tpu.memory_space<vmem_shared>>
    %dma_start3A_41 = arith.constant 0 : i32
    %dma_start3A_42 = arith.constant 0 : i32
    %dma_start3A_43 = tpu.memref_slice %arg8[%dma_start3A_41, %dma_start3A_42] : memref<128x128xf32, #tpu.memory_space<vmem>> -> memref<112x128xf32, #tpu.memory_space<vmem>>
    tpu.enqueue_dma source(%dma_start3A_43 : memref<112x128xf32, #tpu.memory_space<vmem>>) target(%dma_start3A_40 : memref<112x128xf32, #tpu.memory_space<vmem_shared>>) target_semaphore(%arg11 : memref<!tpu.dma_semaphore, #tpu.memory_space<semaphore_mem>>)
    %eq3A = arith.constant 0 : i32
    %eq3A_44 = arith.cmpi eq, %arg1, %eq3A : i32
    %convert_element_type3A = arith.extui %eq3A_44 : i1 to i32
    %cond3A = arith.constant 0 : i32
    %cond3A_45 = arith.cmpi ne, %convert_element_type3A, %cond3A : i32
    scf.if %cond3A_45 {
      "tpu.region"() ({
        %run_scoped3A_163 = tpu.sem_alloc : memref<!tpu.dma_semaphore, #tpu.memory_space<semaphore_mem>>
        %dma_start3A_164 = arith.constant 0 : i32
        %dma_start3A_165 = arith.constant 0 : i32
        %dma_start3A_166 = tpu.memref_slice %arg8[%dma_start3A_164, %dma_start3A_165] : memref<128x128xf32, #tpu.memory_space<vmem>> -> memref<16x128xf32, #tpu.memory_space<vmem>>
        %dma_start3A_167 = arith.constant 9984 : i32
        %dma_start3A_168 = arith.constant 0 : i32
        %dma_start3A_169 = tpu.memref_slice %arg10[%dma_start3A_167, %dma_start3A_168] : memref<10128x128xf32, #tpu.memory_space<vmem_shared>> -> memref<16x128xf32, #tpu.memory_space<vmem_shared>>
        %dma_start3A_170 = arith.constant 9984 : i32
        %dma_start3A_171 = arith.constant 0 : i32
        %dma_start3A_172 = tpu.memref_slice %arg10[%dma_start3A_170, %dma_start3A_171] : memref<10128x128xf32, #tpu.memory_space<vmem_shared>> -> memref<16x128xf32, #tpu.memory_space<vmem_shared>>
        %dma_start3A_173 = arith.constant 0 : i32
        %dma_start3A_174 = arith.constant 0 : i32
        %dma_start3A_175 = tpu.memref_slice %arg8[%dma_start3A_173, %dma_start3A_174] : memref<128x128xf32, #tpu.memory_space<vmem>> -> memref<16x128xf32, #tpu.memory_space<vmem>>
        tpu.enqueue_dma source(%dma_start3A_175 : memref<16x128xf32, #tpu.memory_space<vmem>>) target(%dma_start3A_172 : memref<16x128xf32, #tpu.memory_space<vmem_shared>>) target_semaphore(%run_scoped3A_163 : memref<!tpu.dma_semaphore, #tpu.memory_space<semaphore_mem>>)
        %dma_wait3A_176 = arith.constant 0 : i32
        %dma_wait3A_177 = arith.constant 0 : i32
        %dma_wait3A_178 = tpu.memref_slice %arg8[%dma_wait3A_176, %dma_wait3A_177] : memref<128x128xf32, #tpu.memory_space<vmem>> -> memref<16x128xf32, #tpu.memory_space<vmem>>
        %dma_wait3A_179 = arith.constant 9984 : i32
        %dma_wait3A_180 = arith.constant 0 : i32
        %dma_wait3A_181 = tpu.memref_slice %arg10[%dma_wait3A_179, %dma_wait3A_180] : memref<10128x128xf32, #tpu.memory_space<vmem_shared>> -> memref<16x128xf32, #tpu.memory_space<vmem_shared>>
        %dma_wait3A_182 = arith.constant 9984 : i32
        %dma_wait3A_183 = arith.constant 0 : i32
        %dma_wait3A_184 = tpu.memref_slice %arg10[%dma_wait3A_182, %dma_wait3A_183] : memref<10128x128xf32, #tpu.memory_space<vmem_shared>> -> memref<16x128xf32, #tpu.memory_space<vmem_shared>>
        %dma_wait3A_185 = arith.constant 0 : i32
        %dma_wait3A_186 = arith.constant 0 : i32
        %dma_wait3A_187 = tpu.memref_slice %arg8[%dma_wait3A_185, %dma_wait3A_186] : memref<128x128xf32, #tpu.memory_space<vmem>> -> memref<16x128xf32, #tpu.memory_space<vmem>>
        tpu.wait_dma2 semaphore(%run_scoped3A_163 : memref<!tpu.dma_semaphore, #tpu.memory_space<semaphore_mem>>) src(%dma_wait3A_187 : memref<16x128xf32, #tpu.memory_space<vmem>>) dst(%dma_wait3A_184 : memref<16x128xf32, #tpu.memory_space<vmem_shared>>)
        tpu.yield
      }) : () -> ()
    } else {
    }
    %mul3A_46 = arith.constant 80 : i32
    %mul3A_47 = arith.muli %add3A, %mul3A_46 : i32
    %multiple_of3A_48 = tpu.assume_multiple %mul3A_47, 8 : i32
    %add3A_49 = arith.constant 0 : i32
    %add3A_50 = arith.addi %multiple_of3A_48, %add3A_49 : i32
    %multiple_of3A_51 = tpu.assume_multiple %add3A_50, 8 : i32
    "tpu.region"() ({
      %run_scoped3A_163 = tpu.sem_alloc : memref<!tpu.dma_semaphore, #tpu.memory_space<semaphore_mem>>
      %dma_start3A_164 = arith.constant 0 : i32
      %dma_start3A_165 = tpu.memref_slice %arg3[%multiple_of3A_51, %dma_start3A_164] : memref<2560x128xi32, #tpu.memory_space<hbm>> -> memref<40x128xi32, #tpu.memory_space<hbm>>
      %dma_start3A_166 = arith.constant 0 : i32
      %dma_start3A_167 = tpu.memref_slice %arg3[%multiple_of3A_51, %dma_start3A_166] : memref<2560x128xi32, #tpu.memory_space<hbm>> -> memref<40x128xi32, #tpu.memory_space<hbm>>
      tpu.enqueue_dma source(%dma_start3A_167 : memref<40x128xi32, #tpu.memory_space<hbm>>) target(%arg6 : memref<40x128xi32, #tpu.memory_space<vmem>>) target_semaphore(%run_scoped3A_163 : memref<!tpu.dma_semaphore, #tpu.memory_space<semaphore_mem>>)
      %dma_wait3A_168 = arith.constant 0 : i32
      %dma_wait3A_169 = tpu.memref_slice %arg3[%multiple_of3A_51, %dma_wait3A_168] : memref<2560x128xi32, #tpu.memory_space<hbm>> -> memref<40x128xi32, #tpu.memory_space<hbm>>
      %dma_wait3A_170 = arith.constant 0 : i32
      %dma_wait3A_171 = tpu.memref_slice %arg3[%multiple_of3A_51, %dma_wait3A_170] : memref<2560x128xi32, #tpu.memory_space<hbm>> -> memref<40x128xi32, #tpu.memory_space<hbm>>
      tpu.wait_dma2 semaphore(%run_scoped3A_163 : memref<!tpu.dma_semaphore, #tpu.memory_space<semaphore_mem>>) src(%dma_wait3A_171 : memref<40x128xi32, #tpu.memory_space<hbm>>) dst(%arg6 : memref<40x128xi32, #tpu.memory_space<vmem>>)
      tpu.yield
    }) : () -> ()
    "tpu.region"() ({
      %run_scoped3A_163 = tpu.sem_alloc : memref<!tpu.dma_semaphore, #tpu.memory_space<semaphore_mem>>
      %dma_start3A_164 = arith.constant 0 : i32
      %dma_start3A_165 = tpu.memref_slice %arg4[%multiple_of3A_51, %dma_start3A_164] : memref<2560x128xi32, #tpu.memory_space<hbm>> -> memref<40x128xi32, #tpu.memory_space<hbm>>
      %dma_start3A_166 = arith.constant 0 : i32
      %dma_start3A_167 = tpu.memref_slice %arg4[%multiple_of3A_51, %dma_start3A_166] : memref<2560x128xi32, #tpu.memory_space<hbm>> -> memref<40x128xi32, #tpu.memory_space<hbm>>
      tpu.enqueue_dma source(%dma_start3A_167 : memref<40x128xi32, #tpu.memory_space<hbm>>) target(%arg7 : memref<40x128xi32, #tpu.memory_space<vmem>>) target_semaphore(%run_scoped3A_163 : memref<!tpu.dma_semaphore, #tpu.memory_space<semaphore_mem>>)
      %dma_wait3A_168 = arith.constant 0 : i32
      %dma_wait3A_169 = tpu.memref_slice %arg4[%multiple_of3A_51, %dma_wait3A_168] : memref<2560x128xi32, #tpu.memory_space<hbm>> -> memref<40x128xi32, #tpu.memory_space<hbm>>
      %dma_wait3A_170 = arith.constant 0 : i32
      %dma_wait3A_171 = tpu.memref_slice %arg4[%multiple_of3A_51, %dma_wait3A_170] : memref<2560x128xi32, #tpu.memory_space<hbm>> -> memref<40x128xi32, #tpu.memory_space<hbm>>
      tpu.wait_dma2 semaphore(%run_scoped3A_163 : memref<!tpu.dma_semaphore, #tpu.memory_space<semaphore_mem>>) src(%dma_wait3A_171 : memref<40x128xi32, #tpu.memory_space<hbm>>) dst(%arg7 : memref<40x128xi32, #tpu.memory_space<vmem>>)
      tpu.yield
    }) : () -> ()
    %dma_wait3A = arith.constant 0 : i32
    %dma_wait3A_52 = tpu.memref_slice %arg10[%add3A_10, %dma_wait3A] : memref<10128x128xf32, #tpu.memory_space<vmem_shared>> -> memref<128x128xf32, #tpu.memory_space<vmem_shared>>
    %dma_wait3A_53 = arith.constant 0 : i32
    %dma_wait3A_54 = tpu.memref_slice %arg10[%add3A_10, %dma_wait3A_53] : memref<10128x128xf32, #tpu.memory_space<vmem_shared>> -> memref<128x128xf32, #tpu.memory_space<vmem_shared>>
    tpu.wait_dma2 semaphore(%arg11 : memref<!tpu.dma_semaphore, #tpu.memory_space<semaphore_mem>>) src(%arg8 : memref<128x128xf32, #tpu.memory_space<vmem>>) dst(%dma_wait3A_54 : memref<128x128xf32, #tpu.memory_space<vmem_shared>>)
    %dma_wait3A_55 = arith.constant 0 : i32
    %dma_wait3A_56 = tpu.memref_slice %arg10[%add3A_12, %dma_wait3A_55] : memref<10128x128xf32, #tpu.memory_space<vmem_shared>> -> memref<128x128xf32, #tpu.memory_space<vmem_shared>>
    %dma_wait3A_57 = arith.constant 0 : i32
    %dma_wait3A_58 = tpu.memref_slice %arg10[%add3A_12, %dma_wait3A_57] : memref<10128x128xf32, #tpu.memory_space<vmem_shared>> -> memref<128x128xf32, #tpu.memory_space<vmem_shared>>
    tpu.wait_dma2 semaphore(%arg11 : memref<!tpu.dma_semaphore, #tpu.memory_space<semaphore_mem>>) src(%arg8 : memref<128x128xf32, #tpu.memory_space<vmem>>) dst(%dma_wait3A_58 : memref<128x128xf32, #tpu.memory_space<vmem_shared>>)
    %dma_wait3A_59 = arith.constant 0 : i32
    %dma_wait3A_60 = tpu.memref_slice %arg10[%add3A_14, %dma_wait3A_59] : memref<10128x128xf32, #tpu.memory_space<vmem_shared>> -> memref<128x128xf32, #tpu.memory_space<vmem_shared>>
    %dma_wait3A_61 = arith.constant 0 : i32
    %dma_wait3A_62 = tpu.memref_slice %arg10[%add3A_14, %dma_wait3A_61] : memref<10128x128xf32, #tpu.memory_space<vmem_shared>> -> memref<128x128xf32, #tpu.memory_space<vmem_shared>>
    tpu.wait_dma2 semaphore(%arg11 : memref<!tpu.dma_semaphore, #tpu.memory_space<semaphore_mem>>) src(%arg8 : memref<128x128xf32, #tpu.memory_space<vmem>>) dst(%dma_wait3A_62 : memref<128x128xf32, #tpu.memory_space<vmem_shared>>)
    %dma_wait3A_63 = arith.constant 0 : i32
    %dma_wait3A_64 = tpu.memref_slice %arg10[%add3A_16, %dma_wait3A_63] : memref<10128x128xf32, #tpu.memory_space<vmem_shared>> -> memref<128x128xf32, #tpu.memory_space<vmem_shared>>
    %dma_wait3A_65 = arith.constant 0 : i32
    %dma_wait3A_66 = tpu.memref_slice %arg10[%add3A_16, %dma_wait3A_65] : memref<10128x128xf32, #tpu.memory_space<vmem_shared>> -> memref<128x128xf32, #tpu.memory_space<vmem_shared>>
    tpu.wait_dma2 semaphore(%arg11 : memref<!tpu.dma_semaphore, #tpu.memory_space<semaphore_mem>>) src(%arg8 : memref<128x128xf32, #tpu.memory_space<vmem>>) dst(%dma_wait3A_66 : memref<128x128xf32, #tpu.memory_space<vmem_shared>>)
    %dma_wait3A_67 = arith.constant 0 : i32
    %dma_wait3A_68 = arith.constant 0 : i32
    %dma_wait3A_69 = tpu.memref_slice %arg8[%dma_wait3A_67, %dma_wait3A_68] : memref<128x128xf32, #tpu.memory_space<vmem>> -> memref<112x128xf32, #tpu.memory_space<vmem>>
    %dma_wait3A_70 = arith.constant 0 : i32
    %dma_wait3A_71 = tpu.memref_slice %arg10[%add3A_18, %dma_wait3A_70] : memref<10128x128xf32, #tpu.memory_space<vmem_shared>> -> memref<112x128xf32, #tpu.memory_space<vmem_shared>>
    %dma_wait3A_72 = arith.constant 0 : i32
    %dma_wait3A_73 = tpu.memref_slice %arg10[%add3A_18, %dma_wait3A_72] : memref<10128x128xf32, #tpu.memory_space<vmem_shared>> -> memref<112x128xf32, #tpu.memory_space<vmem_shared>>
    %dma_wait3A_74 = arith.constant 0 : i32
    %dma_wait3A_75 = arith.constant 0 : i32
    %dma_wait3A_76 = tpu.memref_slice %arg8[%dma_wait3A_74, %dma_wait3A_75] : memref<128x128xf32, #tpu.memory_space<vmem>> -> memref<112x128xf32, #tpu.memory_space<vmem>>
    tpu.wait_dma2 semaphore(%arg11 : memref<!tpu.dma_semaphore, #tpu.memory_space<semaphore_mem>>) src(%dma_wait3A_76 : memref<112x128xf32, #tpu.memory_space<vmem>>) dst(%dma_wait3A_73 : memref<112x128xf32, #tpu.memory_space<vmem_shared>>)
    %barrier3A = arith.constant 0 : index
    tpu.barrier barrier_id(%barrier3A)
    %dma_start3A_77 = arith.constant 0 : i32
    %dma_start3A_78 = arith.constant 0 : i32
    %dma_start3A_79 = tpu.memref_slice %arg6[%dma_start3A_77, %dma_start3A_78] : memref<40x128xi32, #tpu.memory_space<vmem>> -> memref<1x128xi32, #tpu.memory_space<vmem>>
    %dma_start3A_80 = tpu.memref_squeeze %dma_start3A_79 : memref<1x128xi32, #tpu.memory_space<vmem>> -> memref<128xi32, #tpu.memory_space<vmem>>
    %dma_start3A_81 = arith.constant 0 : i32
    %dma_start3A_82 = arith.constant 0 : i32
    %dma_start3A_83 = tpu.memref_slice %arg2[%dma_start3A_81, %dma_start3A_82] : memref<40000x128xf32, #tpu.memory_space<hbm>> -> memref<40000x128xf32, #tpu.memory_space<hbm>>
    tpu.enqueue_indirect_dma source(%dma_start3A_83 : memref<40000x128xf32, #tpu.memory_space<hbm>>) target(%arg8 : memref<128x128xf32, #tpu.memory_space<vmem>>) offsets(%dma_start3A_80 : memref<128xi32, #tpu.memory_space<vmem>>) semaphore(%arg11 : memref<!tpu.dma_semaphore, #tpu.memory_space<semaphore_mem>>)
    %scan3A_84 = arith.constant 0 : i32
    %scan3A_85 = arith.constant 0 : i32
    %scan3A_86 = arith.constant 19 : i32
    %scan3A_87 = arith.addi %scan3A_85, %scan3A_86 : i32
    %scan3A_88 = arith.constant 1 : i32
    %scan3A_89 = scf.for %scan3A_163 = %scan3A_85 to %scan3A_87 step %scan3A_88 iter_args(%scan3A_164 = %scan3A_84) -> (i32)  : i32 {
      %mul3A_165 = arith.constant 2 : i32
      %mul3A_166 = arith.muli %mul3A_165, %scan3A_163 : i32
      %add3A_167 = arith.constant 1 : i32
      %add3A_168 = arith.addi %mul3A_166, %add3A_167 : i32
      %dma_start3A_169 = arith.constant 0 : i32
      %dma_start3A_170 = tpu.memref_slice %arg6[%add3A_168, %dma_start3A_169] : memref<40x128xi32, #tpu.memory_space<vmem>> -> memref<1x128xi32, #tpu.memory_space<vmem>>
      %dma_start3A_171 = tpu.memref_squeeze %dma_start3A_170 : memref<1x128xi32, #tpu.memory_space<vmem>> -> memref<128xi32, #tpu.memory_space<vmem>>
      %dma_start3A_172 = arith.constant 0 : i32
      %dma_start3A_173 = arith.constant 0 : i32
      %dma_start3A_174 = tpu.memref_slice %arg2[%dma_start3A_172, %dma_start3A_173] : memref<40000x128xf32, #tpu.memory_space<hbm>> -> memref<40000x128xf32, #tpu.memory_space<hbm>>
      tpu.enqueue_indirect_dma source(%dma_start3A_174 : memref<40000x128xf32, #tpu.memory_space<hbm>>) target(%arg9 : memref<128x128xf32, #tpu.memory_space<vmem>>) offsets(%dma_start3A_171 : memref<128xi32, #tpu.memory_space<vmem>>) semaphore(%arg12 : memref<!tpu.dma_semaphore, #tpu.memory_space<semaphore_mem>>)
      %mul3A_175 = arith.constant 2 : i32
      %mul3A_176 = arith.muli %mul3A_175, %scan3A_163 : i32
      %dma_wait3A_177 = arith.constant 0 : i32
      %dma_wait3A_178 = tpu.memref_slice %arg6[%mul3A_176, %dma_wait3A_177] : memref<40x128xi32, #tpu.memory_space<vmem>> -> memref<1x128xi32, #tpu.memory_space<vmem>>
      %dma_wait3A_179 = tpu.memref_squeeze %dma_wait3A_178 : memref<1x128xi32, #tpu.memory_space<vmem>> -> memref<128xi32, #tpu.memory_space<vmem>>
      %dma_wait3A_180 = arith.constant 0 : i32
      %dma_wait3A_181 = arith.constant 0 : i32
      %dma_wait3A_182 = tpu.memref_slice %arg2[%dma_wait3A_180, %dma_wait3A_181] : memref<40000x128xf32, #tpu.memory_space<hbm>> -> memref<40000x128xf32, #tpu.memory_space<hbm>>
      tpu.wait_indirect_dma semaphore(%arg11 : memref<!tpu.dma_semaphore, #tpu.memory_space<semaphore_mem>>) src(%dma_wait3A_182 : memref<40000x128xf32, #tpu.memory_space<hbm>>) dst(%arg8 : memref<128x128xf32, #tpu.memory_space<vmem>>)
      %mul3A_183 = arith.constant 2 : i32
      %mul3A_184 = arith.muli %mul3A_183, %scan3A_163 : i32
      "tpu.region"() ({
        %run_scoped3A_200 = tpu.sem_alloc : memref<!tpu.dma_semaphore, #tpu.memory_space<semaphore_mem>>
        %dma_start3A_201 = arith.constant 0 : i32
        %dma_start3A_202 = tpu.memref_slice %arg7[%mul3A_184, %dma_start3A_201] : memref<40x128xi32, #tpu.memory_space<vmem>> -> memref<1x128xi32, #tpu.memory_space<vmem>>
        %dma_start3A_203 = tpu.memref_squeeze %dma_start3A_202 : memref<1x128xi32, #tpu.memory_space<vmem>> -> memref<128xi32, #tpu.memory_space<vmem>>
        %dma_start3A_204 = arith.constant 0 : i32
        %dma_start3A_205 = arith.constant 0 : i32
        %dma_start3A_206 = tpu.memref_slice %arg10[%dma_start3A_204, %dma_start3A_205] : memref<10128x128xf32, #tpu.memory_space<vmem_shared>> -> memref<10128x128xf32, #tpu.memory_space<vmem_shared>>
        tpu.enqueue_indirect_dma source(%arg8 : memref<128x128xf32, #tpu.memory_space<vmem>>) target(%dma_start3A_206 : memref<10128x128xf32, #tpu.memory_space<vmem_shared>>) offsets(%dma_start3A_203 : memref<128xi32, #tpu.memory_space<vmem>>) semaphore(%run_scoped3A_200 : memref<!tpu.dma_semaphore, #tpu.memory_space<semaphore_mem>>) {add = true}
        %dma_wait3A_207 = arith.constant 0 : i32
        %dma_wait3A_208 = tpu.memref_slice %arg7[%mul3A_184, %dma_wait3A_207] : memref<40x128xi32, #tpu.memory_space<vmem>> -> memref<1x128xi32, #tpu.memory_space<vmem>>
        %dma_wait3A_209 = tpu.memref_squeeze %dma_wait3A_208 : memref<1x128xi32, #tpu.memory_space<vmem>> -> memref<128xi32, #tpu.memory_space<vmem>>
        %dma_wait3A_210 = arith.constant 0 : i32
        %dma_wait3A_211 = arith.constant 0 : i32
        %dma_wait3A_212 = tpu.memref_slice %arg10[%dma_wait3A_210, %dma_wait3A_211] : memref<10128x128xf32, #tpu.memory_space<vmem_shared>> -> memref<10128x128xf32, #tpu.memory_space<vmem_shared>>
        tpu.wait_indirect_dma semaphore(%run_scoped3A_200 : memref<!tpu.dma_semaphore, #tpu.memory_space<semaphore_mem>>) src(%arg8 : memref<128x128xf32, #tpu.memory_space<vmem>>) dst(%dma_wait3A_212 : memref<10128x128xf32, #tpu.memory_space<vmem_shared>>)
        tpu.yield
      }) : () -> ()
      %add3A_185 = arith.constant 1 : i32
      %add3A_186 = arith.addi %add3A_168, %add3A_185 : i32
      %dma_start3A_187 = arith.constant 0 : i32
      %dma_start3A_188 = tpu.memref_slice %arg6[%add3A_186, %dma_start3A_187] : memref<40x128xi32, #tpu.memory_space<vmem>> -> memref<1x128xi32, #tpu.memory_space<vmem>>
      %dma_start3A_189 = tpu.memref_squeeze %dma_start3A_188 : memref<1x128xi32, #tpu.memory_space<vmem>> -> memref<128xi32, #tpu.memory_space<vmem>>
      %dma_start3A_190 = arith.constant 0 : i32
      %dma_start3A_191 = arith.constant 0 : i32
      %dma_start3A_192 = tpu.memref_slice %arg2[%dma_start3A_190, %dma_start3A_191] : memref<40000x128xf32, #tpu.memory_space<hbm>> -> memref<40000x128xf32, #tpu.memory_space<hbm>>
      tpu.enqueue_indirect_dma source(%dma_start3A_192 : memref<40000x128xf32, #tpu.memory_space<hbm>>) target(%arg8 : memref<128x128xf32, #tpu.memory_space<vmem>>) offsets(%dma_start3A_189 : memref<128xi32, #tpu.memory_space<vmem>>) semaphore(%arg11 : memref<!tpu.dma_semaphore, #tpu.memory_space<semaphore_mem>>)
      %dma_wait3A_193 = arith.constant 0 : i32
      %dma_wait3A_194 = tpu.memref_slice %arg6[%add3A_168, %dma_wait3A_193] : memref<40x128xi32, #tpu.memory_space<vmem>> -> memref<1x128xi32, #tpu.memory_space<vmem>>
      %dma_wait3A_195 = tpu.memref_squeeze %dma_wait3A_194 : memref<1x128xi32, #tpu.memory_space<vmem>> -> memref<128xi32, #tpu.memory_space<vmem>>
      %dma_wait3A_196 = arith.constant 0 : i32
      %dma_wait3A_197 = arith.constant 0 : i32
      %dma_wait3A_198 = tpu.memref_slice %arg2[%dma_wait3A_196, %dma_wait3A_197] : memref<40000x128xf32, #tpu.memory_space<hbm>> -> memref<40000x128xf32, #tpu.memory_space<hbm>>
      tpu.wait_indirect_dma semaphore(%arg12 : memref<!tpu.dma_semaphore, #tpu.memory_space<semaphore_mem>>) src(%dma_wait3A_198 : memref<40000x128xf32, #tpu.memory_space<hbm>>) dst(%arg9 : memref<128x128xf32, #tpu.memory_space<vmem>>)
      "tpu.region"() ({
        %run_scoped3A_200 = tpu.sem_alloc : memref<!tpu.dma_semaphore, #tpu.memory_space<semaphore_mem>>
        %dma_start3A_201 = arith.constant 0 : i32
        %dma_start3A_202 = tpu.memref_slice %arg7[%add3A_168, %dma_start3A_201] : memref<40x128xi32, #tpu.memory_space<vmem>> -> memref<1x128xi32, #tpu.memory_space<vmem>>
        %dma_start3A_203 = tpu.memref_squeeze %dma_start3A_202 : memref<1x128xi32, #tpu.memory_space<vmem>> -> memref<128xi32, #tpu.memory_space<vmem>>
        %dma_start3A_204 = arith.constant 0 : i32
        %dma_start3A_205 = arith.constant 0 : i32
        %dma_start3A_206 = tpu.memref_slice %arg10[%dma_start3A_204, %dma_start3A_205] : memref<10128x128xf32, #tpu.memory_space<vmem_shared>> -> memref<10128x128xf32, #tpu.memory_space<vmem_shared>>
        tpu.enqueue_indirect_dma source(%arg9 : memref<128x128xf32, #tpu.memory_space<vmem>>) target(%dma_start3A_206 : memref<10128x128xf32, #tpu.memory_space<vmem_shared>>) offsets(%dma_start3A_203 : memref<128xi32, #tpu.memory_space<vmem>>) semaphore(%run_scoped3A_200 : memref<!tpu.dma_semaphore, #tpu.memory_space<semaphore_mem>>) {add = true}
        %dma_wait3A_207 = arith.constant 0 : i32
        %dma_wait3A_208 = tpu.memref_slice %arg7[%add3A_168, %dma_wait3A_207] : memref<40x128xi32, #tpu.memory_space<vmem>> -> memref<1x128xi32, #tpu.memory_space<vmem>>
        %dma_wait3A_209 = tpu.memref_squeeze %dma_wait3A_208 : memref<1x128xi32, #tpu.memory_space<vmem>> -> memref<128xi32, #tpu.memory_space<vmem>>
        %dma_wait3A_210 = arith.constant 0 : i32
        %dma_wait3A_211 = arith.constant 0 : i32
        %dma_wait3A_212 = tpu.memref_slice %arg10[%dma_wait3A_210, %dma_wait3A_211] : memref<10128x128xf32, #tpu.memory_space<vmem_shared>> -> memref<10128x128xf32, #tpu.memory_space<vmem_shared>>
        tpu.wait_indirect_dma semaphore(%run_scoped3A_200 : memref<!tpu.dma_semaphore, #tpu.memory_space<semaphore_mem>>) src(%arg9 : memref<128x128xf32, #tpu.memory_space<vmem>>) dst(%dma_wait3A_212 : memref<10128x128xf32, #tpu.memory_space<vmem_shared>>)
        tpu.yield
      }) : () -> ()
      %scan3A_199 = arith.constant 0 : i32
      scf.yield %scan3A_199 : i32
    }
    %scan3A_90 = arith.constant 19 : i32
    %dma_start3A_91 = arith.constant 39 : i32
    %dma_start3A_92 = arith.constant 0 : i32
    %dma_start3A_93 = tpu.memref_slice %arg6[%dma_start3A_91, %dma_start3A_92] : memref<40x128xi32, #tpu.memory_space<vmem>> -> memref<1x128xi32, #tpu.memory_space<vmem>>
    %dma_start3A_94 = tpu.memref_squeeze %dma_start3A_93 : memref<1x128xi32, #tpu.memory_space<vmem>> -> memref<128xi32, #tpu.memory_space<vmem>>
    %dma_start3A_95 = arith.constant 0 : i32
    %dma_start3A_96 = arith.constant 0 : i32
    %dma_start3A_97 = tpu.memref_slice %arg2[%dma_start3A_95, %dma_start3A_96] : memref<40000x128xf32, #tpu.memory_space<hbm>> -> memref<40000x128xf32, #tpu.memory_space<hbm>>
    tpu.enqueue_indirect_dma source(%dma_start3A_97 : memref<40000x128xf32, #tpu.memory_space<hbm>>) target(%arg9 : memref<128x128xf32, #tpu.memory_space<vmem>>) offsets(%dma_start3A_94 : memref<128xi32, #tpu.memory_space<vmem>>) semaphore(%arg12 : memref<!tpu.dma_semaphore, #tpu.memory_space<semaphore_mem>>)
    %dma_wait3A_98 = arith.constant 38 : i32
    %dma_wait3A_99 = arith.constant 0 : i32
    %dma_wait3A_100 = tpu.memref_slice %arg6[%dma_wait3A_98, %dma_wait3A_99] : memref<40x128xi32, #tpu.memory_space<vmem>> -> memref<1x128xi32, #tpu.memory_space<vmem>>
    %dma_wait3A_101 = tpu.memref_squeeze %dma_wait3A_100 : memref<1x128xi32, #tpu.memory_space<vmem>> -> memref<128xi32, #tpu.memory_space<vmem>>
    %dma_wait3A_102 = arith.constant 0 : i32
    %dma_wait3A_103 = arith.constant 0 : i32
    %dma_wait3A_104 = tpu.memref_slice %arg2[%dma_wait3A_102, %dma_wait3A_103] : memref<40000x128xf32, #tpu.memory_space<hbm>> -> memref<40000x128xf32, #tpu.memory_space<hbm>>
    tpu.wait_indirect_dma semaphore(%arg11 : memref<!tpu.dma_semaphore, #tpu.memory_space<semaphore_mem>>) src(%dma_wait3A_104 : memref<40000x128xf32, #tpu.memory_space<hbm>>) dst(%arg8 : memref<128x128xf32, #tpu.memory_space<vmem>>)
    %run_scoped3A = arith.constant 38 : i32
    "tpu.region"() ({
      %run_scoped3A_163 = tpu.sem_alloc : memref<!tpu.dma_semaphore, #tpu.memory_space<semaphore_mem>>
      %dma_start3A_164 = arith.constant 0 : i32
      %dma_start3A_165 = tpu.memref_slice %arg7[%run_scoped3A, %dma_start3A_164] : memref<40x128xi32, #tpu.memory_space<vmem>> -> memref<1x128xi32, #tpu.memory_space<vmem>>
      %dma_start3A_166 = tpu.memref_squeeze %dma_start3A_165 : memref<1x128xi32, #tpu.memory_space<vmem>> -> memref<128xi32, #tpu.memory_space<vmem>>
      %dma_start3A_167 = arith.constant 0 : i32
      %dma_start3A_168 = arith.constant 0 : i32
      %dma_start3A_169 = tpu.memref_slice %arg10[%dma_start3A_167, %dma_start3A_168] : memref<10128x128xf32, #tpu.memory_space<vmem_shared>> -> memref<10128x128xf32, #tpu.memory_space<vmem_shared>>
      tpu.enqueue_indirect_dma source(%arg8 : memref<128x128xf32, #tpu.memory_space<vmem>>) target(%dma_start3A_169 : memref<10128x128xf32, #tpu.memory_space<vmem_shared>>) offsets(%dma_start3A_166 : memref<128xi32, #tpu.memory_space<vmem>>) semaphore(%run_scoped3A_163 : memref<!tpu.dma_semaphore, #tpu.memory_space<semaphore_mem>>) {add = true}
      %dma_wait3A_170 = arith.constant 0 : i32
      %dma_wait3A_171 = tpu.memref_slice %arg7[%run_scoped3A, %dma_wait3A_170] : memref<40x128xi32, #tpu.memory_space<vmem>> -> memref<1x128xi32, #tpu.memory_space<vmem>>
      %dma_wait3A_172 = tpu.memref_squeeze %dma_wait3A_171 : memref<1x128xi32, #tpu.memory_space<vmem>> -> memref<128xi32, #tpu.memory_space<vmem>>
      %dma_wait3A_173 = arith.constant 0 : i32
      %dma_wait3A_174 = arith.constant 0 : i32
      %dma_wait3A_175 = tpu.memref_slice %arg10[%dma_wait3A_173, %dma_wait3A_174] : memref<10128x128xf32, #tpu.memory_space<vmem_shared>> -> memref<10128x128xf32, #tpu.memory_space<vmem_shared>>
      tpu.wait_indirect_dma semaphore(%run_scoped3A_163 : memref<!tpu.dma_semaphore, #tpu.memory_space<semaphore_mem>>) src(%arg8 : memref<128x128xf32, #tpu.memory_space<vmem>>) dst(%dma_wait3A_175 : memref<10128x128xf32, #tpu.memory_space<vmem_shared>>)
      tpu.yield
    }) : () -> ()
    %dma_wait3A_105 = arith.constant 39 : i32
    %dma_wait3A_106 = arith.constant 0 : i32
    %dma_wait3A_107 = tpu.memref_slice %arg6[%dma_wait3A_105, %dma_wait3A_106] : memref<40x128xi32, #tpu.memory_space<vmem>> -> memref<1x128xi32, #tpu.memory_space<vmem>>
    %dma_wait3A_108 = tpu.memref_squeeze %dma_wait3A_107 : memref<1x128xi32, #tpu.memory_space<vmem>> -> memref<128xi32, #tpu.memory_space<vmem>>
    %dma_wait3A_109 = arith.constant 0 : i32
    %dma_wait3A_110 = arith.constant 0 : i32
    %dma_wait3A_111 = tpu.memref_slice %arg2[%dma_wait3A_109, %dma_wait3A_110] : memref<40000x128xf32, #tpu.memory_space<hbm>> -> memref<40000x128xf32, #tpu.memory_space<hbm>>
    tpu.wait_indirect_dma semaphore(%arg12 : memref<!tpu.dma_semaphore, #tpu.memory_space<semaphore_mem>>) src(%dma_wait3A_111 : memref<40000x128xf32, #tpu.memory_space<hbm>>) dst(%arg9 : memref<128x128xf32, #tpu.memory_space<vmem>>)
    %run_scoped3A_112 = arith.constant 39 : i32
    "tpu.region"() ({
      %run_scoped3A_163 = tpu.sem_alloc : memref<!tpu.dma_semaphore, #tpu.memory_space<semaphore_mem>>
      %dma_start3A_164 = arith.constant 0 : i32
      %dma_start3A_165 = tpu.memref_slice %arg7[%run_scoped3A_112, %dma_start3A_164] : memref<40x128xi32, #tpu.memory_space<vmem>> -> memref<1x128xi32, #tpu.memory_space<vmem>>
      %dma_start3A_166 = tpu.memref_squeeze %dma_start3A_165 : memref<1x128xi32, #tpu.memory_space<vmem>> -> memref<128xi32, #tpu.memory_space<vmem>>
      %dma_start3A_167 = arith.constant 0 : i32
      %dma_start3A_168 = arith.constant 0 : i32
      %dma_start3A_169 = tpu.memref_slice %arg10[%dma_start3A_167, %dma_start3A_168] : memref<10128x128xf32, #tpu.memory_space<vmem_shared>> -> memref<10128x128xf32, #tpu.memory_space<vmem_shared>>
      tpu.enqueue_indirect_dma source(%arg9 : memref<128x128xf32, #tpu.memory_space<vmem>>) target(%dma_start3A_169 : memref<10128x128xf32, #tpu.memory_space<vmem_shared>>) offsets(%dma_start3A_166 : memref<128xi32, #tpu.memory_space<vmem>>) semaphore(%run_scoped3A_163 : memref<!tpu.dma_semaphore, #tpu.memory_space<semaphore_mem>>) {add = true}
      %dma_wait3A_170 = arith.constant 0 : i32
      %dma_wait3A_171 = tpu.memref_slice %arg7[%run_scoped3A_112, %dma_wait3A_170] : memref<40x128xi32, #tpu.memory_space<vmem>> -> memref<1x128xi32, #tpu.memory_space<vmem>>
      %dma_wait3A_172 = tpu.memref_squeeze %dma_wait3A_171 : memref<1x128xi32, #tpu.memory_space<vmem>> -> memref<128xi32, #tpu.memory_space<vmem>>
      %dma_wait3A_173 = arith.constant 0 : i32
      %dma_wait3A_174 = arith.constant 0 : i32
      %dma_wait3A_175 = tpu.memref_slice %arg10[%dma_wait3A_173, %dma_wait3A_174] : memref<10128x128xf32, #tpu.memory_space<vmem_shared>> -> memref<10128x128xf32, #tpu.memory_space<vmem_shared>>
      tpu.wait_indirect_dma semaphore(%run_scoped3A_163 : memref<!tpu.dma_semaphore, #tpu.memory_space<semaphore_mem>>) src(%arg9 : memref<128x128xf32, #tpu.memory_space<vmem>>) dst(%dma_wait3A_175 : memref<10128x128xf32, #tpu.memory_space<vmem_shared>>)
      tpu.yield
    }) : () -> ()
    %add3A_113 = arith.constant 40 : i32
    %add3A_114 = arith.addi %multiple_of3A_48, %add3A_113 : i32
    %multiple_of3A_115 = tpu.assume_multiple %add3A_114, 8 : i32
    "tpu.region"() ({
      %run_scoped3A_163 = tpu.sem_alloc : memref<!tpu.dma_semaphore, #tpu.memory_space<semaphore_mem>>
      %dma_start3A_164 = arith.constant 0 : i32
      %dma_start3A_165 = tpu.memref_slice %arg3[%multiple_of3A_115, %dma_start3A_164] : memref<2560x128xi32, #tpu.memory_space<hbm>> -> memref<40x128xi32, #tpu.memory_space<hbm>>
      %dma_start3A_166 = arith.constant 0 : i32
      %dma_start3A_167 = tpu.memref_slice %arg3[%multiple_of3A_115, %dma_start3A_166] : memref<2560x128xi32, #tpu.memory_space<hbm>> -> memref<40x128xi32, #tpu.memory_space<hbm>>
      tpu.enqueue_dma source(%dma_start3A_167 : memref<40x128xi32, #tpu.memory_space<hbm>>) target(%arg6 : memref<40x128xi32, #tpu.memory_space<vmem>>) target_semaphore(%run_scoped3A_163 : memref<!tpu.dma_semaphore, #tpu.memory_space<semaphore_mem>>)
      %dma_wait3A_168 = arith.constant 0 : i32
      %dma_wait3A_169 = tpu.memref_slice %arg3[%multiple_of3A_115, %dma_wait3A_168] : memref<2560x128xi32, #tpu.memory_space<hbm>> -> memref<40x128xi32, #tpu.memory_space<hbm>>
      %dma_wait3A_170 = arith.constant 0 : i32
      %dma_wait3A_171 = tpu.memref_slice %arg3[%multiple_of3A_115, %dma_wait3A_170] : memref<2560x128xi32, #tpu.memory_space<hbm>> -> memref<40x128xi32, #tpu.memory_space<hbm>>
      tpu.wait_dma2 semaphore(%run_scoped3A_163 : memref<!tpu.dma_semaphore, #tpu.memory_space<semaphore_mem>>) src(%dma_wait3A_171 : memref<40x128xi32, #tpu.memory_space<hbm>>) dst(%arg6 : memref<40x128xi32, #tpu.memory_space<vmem>>)
      tpu.yield
    }) : () -> ()
    "tpu.region"() ({
      %run_scoped3A_163 = tpu.sem_alloc : memref<!tpu.dma_semaphore, #tpu.memory_space<semaphore_mem>>
      %dma_start3A_164 = arith.constant 0 : i32
      %dma_start3A_165 = tpu.memref_slice %arg4[%multiple_of3A_115, %dma_start3A_164] : memref<2560x128xi32, #tpu.memory_space<hbm>> -> memref<40x128xi32, #tpu.memory_space<hbm>>
      %dma_start3A_166 = arith.constant 0 : i32
      %dma_start3A_167 = tpu.memref_slice %arg4[%multiple_of3A_115, %dma_start3A_166] : memref<2560x128xi32, #tpu.memory_space<hbm>> -> memref<40x128xi32, #tpu.memory_space<hbm>>
      tpu.enqueue_dma source(%dma_start3A_167 : memref<40x128xi32, #tpu.memory_space<hbm>>) target(%arg7 : memref<40x128xi32, #tpu.memory_space<vmem>>) target_semaphore(%run_scoped3A_163 : memref<!tpu.dma_semaphore, #tpu.memory_space<semaphore_mem>>)
      %dma_wait3A_168 = arith.constant 0 : i32
      %dma_wait3A_169 = tpu.memref_slice %arg4[%multiple_of3A_115, %dma_wait3A_168] : memref<2560x128xi32, #tpu.memory_space<hbm>> -> memref<40x128xi32, #tpu.memory_space<hbm>>
      %dma_wait3A_170 = arith.constant 0 : i32
      %dma_wait3A_171 = tpu.memref_slice %arg4[%multiple_of3A_115, %dma_wait3A_170] : memref<2560x128xi32, #tpu.memory_space<hbm>> -> memref<40x128xi32, #tpu.memory_space<hbm>>
      tpu.wait_dma2 semaphore(%run_scoped3A_163 : memref<!tpu.dma_semaphore, #tpu.memory_space<semaphore_mem>>) src(%dma_wait3A_171 : memref<40x128xi32, #tpu.memory_space<hbm>>) dst(%arg7 : memref<40x128xi32, #tpu.memory_space<vmem>>)
      tpu.yield
    }) : () -> ()
    %dma_start3A_116 = arith.constant 0 : i32
    %dma_start3A_117 = arith.constant 0 : i32
    %dma_start3A_118 = tpu.memref_slice %arg6[%dma_start3A_116, %dma_start3A_117] : memref<40x128xi32, #tpu.memory_space<vmem>> -> memref<1x128xi32, #tpu.memory_space<vmem>>
    %dma_start3A_119 = tpu.memref_squeeze %dma_start3A_118 : memref<1x128xi32, #tpu.memory_space<vmem>> -> memref<128xi32, #tpu.memory_space<vmem>>
    %dma_start3A_120 = arith.constant 0 : i32
    %dma_start3A_121 = arith.constant 0 : i32
    %dma_start3A_122 = tpu.memref_slice %arg2[%dma_start3A_120, %dma_start3A_121] : memref<40000x128xf32, #tpu.memory_space<hbm>> -> memref<40000x128xf32, #tpu.memory_space<hbm>>
    tpu.enqueue_indirect_dma source(%dma_start3A_122 : memref<40000x128xf32, #tpu.memory_space<hbm>>) target(%arg8 : memref<128x128xf32, #tpu.memory_space<vmem>>) offsets(%dma_start3A_119 : memref<128xi32, #tpu.memory_space<vmem>>) semaphore(%arg11 : memref<!tpu.dma_semaphore, #tpu.memory_space<semaphore_mem>>)
    %scan3A_123 = arith.constant 0 : i32
    %scan3A_124 = arith.constant 0 : i32
    %scan3A_125 = arith.constant 19 : i32
    %scan3A_126 = arith.addi %scan3A_124, %scan3A_125 : i32
    %scan3A_127 = arith.constant 1 : i32
    %scan3A_128 = scf.for %scan3A_163 = %scan3A_124 to %scan3A_126 step %scan3A_127 iter_args(%scan3A_164 = %scan3A_123) -> (i32)  : i32 {
      %mul3A_165 = arith.constant 2 : i32
      %mul3A_166 = arith.muli %mul3A_165, %scan3A_163 : i32
      %add3A_167 = arith.constant 1 : i32
      %add3A_168 = arith.addi %mul3A_166, %add3A_167 : i32
      %dma_start3A_169 = arith.constant 0 : i32
      %dma_start3A_170 = tpu.memref_slice %arg6[%add3A_168, %dma_start3A_169] : memref<40x128xi32, #tpu.memory_space<vmem>> -> memref<1x128xi32, #tpu.memory_space<vmem>>
      %dma_start3A_171 = tpu.memref_squeeze %dma_start3A_170 : memref<1x128xi32, #tpu.memory_space<vmem>> -> memref<128xi32, #tpu.memory_space<vmem>>
      %dma_start3A_172 = arith.constant 0 : i32
      %dma_start3A_173 = arith.constant 0 : i32
      %dma_start3A_174 = tpu.memref_slice %arg2[%dma_start3A_172, %dma_start3A_173] : memref<40000x128xf32, #tpu.memory_space<hbm>> -> memref<40000x128xf32, #tpu.memory_space<hbm>>
      tpu.enqueue_indirect_dma source(%dma_start3A_174 : memref<40000x128xf32, #tpu.memory_space<hbm>>) target(%arg9 : memref<128x128xf32, #tpu.memory_space<vmem>>) offsets(%dma_start3A_171 : memref<128xi32, #tpu.memory_space<vmem>>) semaphore(%arg12 : memref<!tpu.dma_semaphore, #tpu.memory_space<semaphore_mem>>)
      %mul3A_175 = arith.constant 2 : i32
      %mul3A_176 = arith.muli %mul3A_175, %scan3A_163 : i32
      %dma_wait3A_177 = arith.constant 0 : i32
      %dma_wait3A_178 = tpu.memref_slice %arg6[%mul3A_176, %dma_wait3A_177] : memref<40x128xi32, #tpu.memory_space<vmem>> -> memref<1x128xi32, #tpu.memory_space<vmem>>
      %dma_wait3A_179 = tpu.memref_squeeze %dma_wait3A_178 : memref<1x128xi32, #tpu.memory_space<vmem>> -> memref<128xi32, #tpu.memory_space<vmem>>
      %dma_wait3A_180 = arith.constant 0 : i32
      %dma_wait3A_181 = arith.constant 0 : i32
      %dma_wait3A_182 = tpu.memref_slice %arg2[%dma_wait3A_180, %dma_wait3A_181] : memref<40000x128xf32, #tpu.memory_space<hbm>> -> memref<40000x128xf32, #tpu.memory_space<hbm>>
      tpu.wait_indirect_dma semaphore(%arg11 : memref<!tpu.dma_semaphore, #tpu.memory_space<semaphore_mem>>) src(%dma_wait3A_182 : memref<40000x128xf32, #tpu.memory_space<hbm>>) dst(%arg8 : memref<128x128xf32, #tpu.memory_space<vmem>>)
      %mul3A_183 = arith.constant 2 : i32
      %mul3A_184 = arith.muli %mul3A_183, %scan3A_163 : i32
      "tpu.region"() ({
        %run_scoped3A_200 = tpu.sem_alloc : memref<!tpu.dma_semaphore, #tpu.memory_space<semaphore_mem>>
        %dma_start3A_201 = arith.constant 0 : i32
        %dma_start3A_202 = tpu.memref_slice %arg7[%mul3A_184, %dma_start3A_201] : memref<40x128xi32, #tpu.memory_space<vmem>> -> memref<1x128xi32, #tpu.memory_space<vmem>>
        %dma_start3A_203 = tpu.memref_squeeze %dma_start3A_202 : memref<1x128xi32, #tpu.memory_space<vmem>> -> memref<128xi32, #tpu.memory_space<vmem>>
        %dma_start3A_204 = arith.constant 0 : i32
        %dma_start3A_205 = arith.constant 0 : i32
        %dma_start3A_206 = tpu.memref_slice %arg10[%dma_start3A_204, %dma_start3A_205] : memref<10128x128xf32, #tpu.memory_space<vmem_shared>> -> memref<10128x128xf32, #tpu.memory_space<vmem_shared>>
        tpu.enqueue_indirect_dma source(%arg8 : memref<128x128xf32, #tpu.memory_space<vmem>>) target(%dma_start3A_206 : memref<10128x128xf32, #tpu.memory_space<vmem_shared>>) offsets(%dma_start3A_203 : memref<128xi32, #tpu.memory_space<vmem>>) semaphore(%run_scoped3A_200 : memref<!tpu.dma_semaphore, #tpu.memory_space<semaphore_mem>>) {add = true}
        %dma_wait3A_207 = arith.constant 0 : i32
        %dma_wait3A_208 = tpu.memref_slice %arg7[%mul3A_184, %dma_wait3A_207] : memref<40x128xi32, #tpu.memory_space<vmem>> -> memref<1x128xi32, #tpu.memory_space<vmem>>
        %dma_wait3A_209 = tpu.memref_squeeze %dma_wait3A_208 : memref<1x128xi32, #tpu.memory_space<vmem>> -> memref<128xi32, #tpu.memory_space<vmem>>
        %dma_wait3A_210 = arith.constant 0 : i32
        %dma_wait3A_211 = arith.constant 0 : i32
        %dma_wait3A_212 = tpu.memref_slice %arg10[%dma_wait3A_210, %dma_wait3A_211] : memref<10128x128xf32, #tpu.memory_space<vmem_shared>> -> memref<10128x128xf32, #tpu.memory_space<vmem_shared>>
        tpu.wait_indirect_dma semaphore(%run_scoped3A_200 : memref<!tpu.dma_semaphore, #tpu.memory_space<semaphore_mem>>) src(%arg8 : memref<128x128xf32, #tpu.memory_space<vmem>>) dst(%dma_wait3A_212 : memref<10128x128xf32, #tpu.memory_space<vmem_shared>>)
        tpu.yield
      }) : () -> ()
      %add3A_185 = arith.constant 1 : i32
      %add3A_186 = arith.addi %add3A_168, %add3A_185 : i32
      %dma_start3A_187 = arith.constant 0 : i32
      %dma_start3A_188 = tpu.memref_slice %arg6[%add3A_186, %dma_start3A_187] : memref<40x128xi32, #tpu.memory_space<vmem>> -> memref<1x128xi32, #tpu.memory_space<vmem>>
      %dma_start3A_189 = tpu.memref_squeeze %dma_start3A_188 : memref<1x128xi32, #tpu.memory_space<vmem>> -> memref<128xi32, #tpu.memory_space<vmem>>
      %dma_start3A_190 = arith.constant 0 : i32
      %dma_start3A_191 = arith.constant 0 : i32
      %dma_start3A_192 = tpu.memref_slice %arg2[%dma_start3A_190, %dma_start3A_191] : memref<40000x128xf32, #tpu.memory_space<hbm>> -> memref<40000x128xf32, #tpu.memory_space<hbm>>
      tpu.enqueue_indirect_dma source(%dma_start3A_192 : memref<40000x128xf32, #tpu.memory_space<hbm>>) target(%arg8 : memref<128x128xf32, #tpu.memory_space<vmem>>) offsets(%dma_start3A_189 : memref<128xi32, #tpu.memory_space<vmem>>) semaphore(%arg11 : memref<!tpu.dma_semaphore, #tpu.memory_space<semaphore_mem>>)
      %dma_wait3A_193 = arith.constant 0 : i32
      %dma_wait3A_194 = tpu.memref_slice %arg6[%add3A_168, %dma_wait3A_193] : memref<40x128xi32, #tpu.memory_space<vmem>> -> memref<1x128xi32, #tpu.memory_space<vmem>>
      %dma_wait3A_195 = tpu.memref_squeeze %dma_wait3A_194 : memref<1x128xi32, #tpu.memory_space<vmem>> -> memref<128xi32, #tpu.memory_space<vmem>>
      %dma_wait3A_196 = arith.constant 0 : i32
      %dma_wait3A_197 = arith.constant 0 : i32
      %dma_wait3A_198 = tpu.memref_slice %arg2[%dma_wait3A_196, %dma_wait3A_197] : memref<40000x128xf32, #tpu.memory_space<hbm>> -> memref<40000x128xf32, #tpu.memory_space<hbm>>
      tpu.wait_indirect_dma semaphore(%arg12 : memref<!tpu.dma_semaphore, #tpu.memory_space<semaphore_mem>>) src(%dma_wait3A_198 : memref<40000x128xf32, #tpu.memory_space<hbm>>) dst(%arg9 : memref<128x128xf32, #tpu.memory_space<vmem>>)
      "tpu.region"() ({
        %run_scoped3A_200 = tpu.sem_alloc : memref<!tpu.dma_semaphore, #tpu.memory_space<semaphore_mem>>
        %dma_start3A_201 = arith.constant 0 : i32
        %dma_start3A_202 = tpu.memref_slice %arg7[%add3A_168, %dma_start3A_201] : memref<40x128xi32, #tpu.memory_space<vmem>> -> memref<1x128xi32, #tpu.memory_space<vmem>>
        %dma_start3A_203 = tpu.memref_squeeze %dma_start3A_202 : memref<1x128xi32, #tpu.memory_space<vmem>> -> memref<128xi32, #tpu.memory_space<vmem>>
        %dma_start3A_204 = arith.constant 0 : i32
        %dma_start3A_205 = arith.constant 0 : i32
        %dma_start3A_206 = tpu.memref_slice %arg10[%dma_start3A_204, %dma_start3A_205] : memref<10128x128xf32, #tpu.memory_space<vmem_shared>> -> memref<10128x128xf32, #tpu.memory_space<vmem_shared>>
        tpu.enqueue_indirect_dma source(%arg9 : memref<128x128xf32, #tpu.memory_space<vmem>>) target(%dma_start3A_206 : memref<10128x128xf32, #tpu.memory_space<vmem_shared>>) offsets(%dma_start3A_203 : memref<128xi32, #tpu.memory_space<vmem>>) semaphore(%run_scoped3A_200 : memref<!tpu.dma_semaphore, #tpu.memory_space<semaphore_mem>>) {add = true}
        %dma_wait3A_207 = arith.constant 0 : i32
        %dma_wait3A_208 = tpu.memref_slice %arg7[%add3A_168, %dma_wait3A_207] : memref<40x128xi32, #tpu.memory_space<vmem>> -> memref<1x128xi32, #tpu.memory_space<vmem>>
        %dma_wait3A_209 = tpu.memref_squeeze %dma_wait3A_208 : memref<1x128xi32, #tpu.memory_space<vmem>> -> memref<128xi32, #tpu.memory_space<vmem>>
        %dma_wait3A_210 = arith.constant 0 : i32
        %dma_wait3A_211 = arith.constant 0 : i32
        %dma_wait3A_212 = tpu.memref_slice %arg10[%dma_wait3A_210, %dma_wait3A_211] : memref<10128x128xf32, #tpu.memory_space<vmem_shared>> -> memref<10128x128xf32, #tpu.memory_space<vmem_shared>>
        tpu.wait_indirect_dma semaphore(%run_scoped3A_200 : memref<!tpu.dma_semaphore, #tpu.memory_space<semaphore_mem>>) src(%arg9 : memref<128x128xf32, #tpu.memory_space<vmem>>) dst(%dma_wait3A_212 : memref<10128x128xf32, #tpu.memory_space<vmem_shared>>)
        tpu.yield
      }) : () -> ()
      %scan3A_199 = arith.constant 0 : i32
      scf.yield %scan3A_199 : i32
    }
    %scan3A_129 = arith.constant 19 : i32
    %dma_start3A_130 = arith.constant 39 : i32
    %dma_start3A_131 = arith.constant 0 : i32
    %dma_start3A_132 = tpu.memref_slice %arg6[%dma_start3A_130, %dma_start3A_131] : memref<40x128xi32, #tpu.memory_space<vmem>> -> memref<1x128xi32, #tpu.memory_space<vmem>>
    %dma_start3A_133 = tpu.memref_squeeze %dma_start3A_132 : memref<1x128xi32, #tpu.memory_space<vmem>> -> memref<128xi32, #tpu.memory_space<vmem>>
    %dma_start3A_134 = arith.constant 0 : i32
    %dma_start3A_135 = arith.constant 0 : i32
    %dma_start3A_136 = tpu.memref_slice %arg2[%dma_start3A_134, %dma_start3A_135] : memref<40000x128xf32, #tpu.memory_space<hbm>> -> memref<40000x128xf32, #tpu.memory_space<hbm>>
    tpu.enqueue_indirect_dma source(%dma_start3A_136 : memref<40000x128xf32, #tpu.memory_space<hbm>>) target(%arg9 : memref<128x128xf32, #tpu.memory_space<vmem>>) offsets(%dma_start3A_133 : memref<128xi32, #tpu.memory_space<vmem>>) semaphore(%arg12 : memref<!tpu.dma_semaphore, #tpu.memory_space<semaphore_mem>>)
    %dma_wait3A_137 = arith.constant 38 : i32
    %dma_wait3A_138 = arith.constant 0 : i32
    %dma_wait3A_139 = tpu.memref_slice %arg6[%dma_wait3A_137, %dma_wait3A_138] : memref<40x128xi32, #tpu.memory_space<vmem>> -> memref<1x128xi32, #tpu.memory_space<vmem>>
    %dma_wait3A_140 = tpu.memref_squeeze %dma_wait3A_139 : memref<1x128xi32, #tpu.memory_space<vmem>> -> memref<128xi32, #tpu.memory_space<vmem>>
    %dma_wait3A_141 = arith.constant 0 : i32
    %dma_wait3A_142 = arith.constant 0 : i32
    %dma_wait3A_143 = tpu.memref_slice %arg2[%dma_wait3A_141, %dma_wait3A_142] : memref<40000x128xf32, #tpu.memory_space<hbm>> -> memref<40000x128xf32, #tpu.memory_space<hbm>>
    tpu.wait_indirect_dma semaphore(%arg11 : memref<!tpu.dma_semaphore, #tpu.memory_space<semaphore_mem>>) src(%dma_wait3A_143 : memref<40000x128xf32, #tpu.memory_space<hbm>>) dst(%arg8 : memref<128x128xf32, #tpu.memory_space<vmem>>)
    %run_scoped3A_144 = arith.constant 38 : i32
    "tpu.region"() ({
      %run_scoped3A_163 = tpu.sem_alloc : memref<!tpu.dma_semaphore, #tpu.memory_space<semaphore_mem>>
      %dma_start3A_164 = arith.constant 0 : i32
      %dma_start3A_165 = tpu.memref_slice %arg7[%run_scoped3A_144, %dma_start3A_164] : memref<40x128xi32, #tpu.memory_space<vmem>> -> memref<1x128xi32, #tpu.memory_space<vmem>>
      %dma_start3A_166 = tpu.memref_squeeze %dma_start3A_165 : memref<1x128xi32, #tpu.memory_space<vmem>> -> memref<128xi32, #tpu.memory_space<vmem>>
      %dma_start3A_167 = arith.constant 0 : i32
      %dma_start3A_168 = arith.constant 0 : i32
      %dma_start3A_169 = tpu.memref_slice %arg10[%dma_start3A_167, %dma_start3A_168] : memref<10128x128xf32, #tpu.memory_space<vmem_shared>> -> memref<10128x128xf32, #tpu.memory_space<vmem_shared>>
      tpu.enqueue_indirect_dma source(%arg8 : memref<128x128xf32, #tpu.memory_space<vmem>>) target(%dma_start3A_169 : memref<10128x128xf32, #tpu.memory_space<vmem_shared>>) offsets(%dma_start3A_166 : memref<128xi32, #tpu.memory_space<vmem>>) semaphore(%run_scoped3A_163 : memref<!tpu.dma_semaphore, #tpu.memory_space<semaphore_mem>>) {add = true}
      %dma_wait3A_170 = arith.constant 0 : i32
      %dma_wait3A_171 = tpu.memref_slice %arg7[%run_scoped3A_144, %dma_wait3A_170] : memref<40x128xi32, #tpu.memory_space<vmem>> -> memref<1x128xi32, #tpu.memory_space<vmem>>
      %dma_wait3A_172 = tpu.memref_squeeze %dma_wait3A_171 : memref<1x128xi32, #tpu.memory_space<vmem>> -> memref<128xi32, #tpu.memory_space<vmem>>
      %dma_wait3A_173 = arith.constant 0 : i32
      %dma_wait3A_174 = arith.constant 0 : i32
      %dma_wait3A_175 = tpu.memref_slice %arg10[%dma_wait3A_173, %dma_wait3A_174] : memref<10128x128xf32, #tpu.memory_space<vmem_shared>> -> memref<10128x128xf32, #tpu.memory_space<vmem_shared>>
      tpu.wait_indirect_dma semaphore(%run_scoped3A_163 : memref<!tpu.dma_semaphore, #tpu.memory_space<semaphore_mem>>) src(%arg8 : memref<128x128xf32, #tpu.memory_space<vmem>>) dst(%dma_wait3A_175 : memref<10128x128xf32, #tpu.memory_space<vmem_shared>>)
      tpu.yield
    }) : () -> ()
    %dma_wait3A_145 = arith.constant 39 : i32
    %dma_wait3A_146 = arith.constant 0 : i32
    %dma_wait3A_147 = tpu.memref_slice %arg6[%dma_wait3A_145, %dma_wait3A_146] : memref<40x128xi32, #tpu.memory_space<vmem>> -> memref<1x128xi32, #tpu.memory_space<vmem>>
    %dma_wait3A_148 = tpu.memref_squeeze %dma_wait3A_147 : memref<1x128xi32, #tpu.memory_space<vmem>> -> memref<128xi32, #tpu.memory_space<vmem>>
    %dma_wait3A_149 = arith.constant 0 : i32
    %dma_wait3A_150 = arith.constant 0 : i32
    %dma_wait3A_151 = tpu.memref_slice %arg2[%dma_wait3A_149, %dma_wait3A_150] : memref<40000x128xf32, #tpu.memory_space<hbm>> -> memref<40000x128xf32, #tpu.memory_space<hbm>>
    tpu.wait_indirect_dma semaphore(%arg12 : memref<!tpu.dma_semaphore, #tpu.memory_space<semaphore_mem>>) src(%dma_wait3A_151 : memref<40000x128xf32, #tpu.memory_space<hbm>>) dst(%arg9 : memref<128x128xf32, #tpu.memory_space<vmem>>)
    %run_scoped3A_152 = arith.constant 39 : i32
    "tpu.region"() ({
      %run_scoped3A_163 = tpu.sem_alloc : memref<!tpu.dma_semaphore, #tpu.memory_space<semaphore_mem>>
      %dma_start3A_164 = arith.constant 0 : i32
      %dma_start3A_165 = tpu.memref_slice %arg7[%run_scoped3A_152, %dma_start3A_164] : memref<40x128xi32, #tpu.memory_space<vmem>> -> memref<1x128xi32, #tpu.memory_space<vmem>>
      %dma_start3A_166 = tpu.memref_squeeze %dma_start3A_165 : memref<1x128xi32, #tpu.memory_space<vmem>> -> memref<128xi32, #tpu.memory_space<vmem>>
      %dma_start3A_167 = arith.constant 0 : i32
      %dma_start3A_168 = arith.constant 0 : i32
      %dma_start3A_169 = tpu.memref_slice %arg10[%dma_start3A_167, %dma_start3A_168] : memref<10128x128xf32, #tpu.memory_space<vmem_shared>> -> memref<10128x128xf32, #tpu.memory_space<vmem_shared>>
      tpu.enqueue_indirect_dma source(%arg9 : memref<128x128xf32, #tpu.memory_space<vmem>>) target(%dma_start3A_169 : memref<10128x128xf32, #tpu.memory_space<vmem_shared>>) offsets(%dma_start3A_166 : memref<128xi32, #tpu.memory_space<vmem>>) semaphore(%run_scoped3A_163 : memref<!tpu.dma_semaphore, #tpu.memory_space<semaphore_mem>>) {add = true}
      %dma_wait3A_170 = arith.constant 0 : i32
      %dma_wait3A_171 = tpu.memref_slice %arg7[%run_scoped3A_152, %dma_wait3A_170] : memref<40x128xi32, #tpu.memory_space<vmem>> -> memref<1x128xi32, #tpu.memory_space<vmem>>
      %dma_wait3A_172 = tpu.memref_squeeze %dma_wait3A_171 : memref<1x128xi32, #tpu.memory_space<vmem>> -> memref<128xi32, #tpu.memory_space<vmem>>
      %dma_wait3A_173 = arith.constant 0 : i32
      %dma_wait3A_174 = arith.constant 0 : i32
      %dma_wait3A_175 = tpu.memref_slice %arg10[%dma_wait3A_173, %dma_wait3A_174] : memref<10128x128xf32, #tpu.memory_space<vmem_shared>> -> memref<10128x128xf32, #tpu.memory_space<vmem_shared>>
      tpu.wait_indirect_dma semaphore(%run_scoped3A_163 : memref<!tpu.dma_semaphore, #tpu.memory_space<semaphore_mem>>) src(%arg9 : memref<128x128xf32, #tpu.memory_space<vmem>>) dst(%dma_wait3A_175 : memref<10128x128xf32, #tpu.memory_space<vmem_shared>>)
      tpu.yield
    }) : () -> ()
    %barrier3A_153 = arith.constant 0 : index
    tpu.barrier barrier_id(%barrier3A_153)
    %mul3A_154 = arith.constant 10000 : i32
    %mul3A_155 = arith.muli %arg0, %mul3A_154 : i32
    %add3A_156 = arith.addi %mul3A_155, %multiple_of3A : i32
    %multiple_of3A_157 = tpu.assume_multiple %add3A_156, 8 : i32
    "tpu.region"() ({
      %run_scoped3A_163 = tpu.sem_alloc : memref<!tpu.dma_semaphore, #tpu.memory_space<semaphore_mem>>
      %dma_start3A_164 = arith.constant 0 : i32
      %dma_start3A_165 = tpu.memref_slice %arg5[%multiple_of3A_157, %dma_start3A_164] : memref<20000x128xf32, #tpu.memory_space<hbm>> -> memref<624x128xf32, #tpu.memory_space<hbm>>
      %dma_start3A_166 = arith.constant 0 : i32
      %dma_start3A_167 = tpu.memref_slice %arg10[%multiple_of3A, %dma_start3A_166] : memref<10128x128xf32, #tpu.memory_space<vmem_shared>> -> memref<624x128xf32, #tpu.memory_space<vmem_shared>>
      tpu.enqueue_dma source(%dma_start3A_167 : memref<624x128xf32, #tpu.memory_space<vmem_shared>>) target(%dma_start3A_165 : memref<624x128xf32, #tpu.memory_space<hbm>>) target_semaphore(%run_scoped3A_163 : memref<!tpu.dma_semaphore, #tpu.memory_space<semaphore_mem>>)
      %dma_wait3A_168 = arith.constant 0 : i32
      %dma_wait3A_169 = tpu.memref_slice %arg5[%multiple_of3A_157, %dma_wait3A_168] : memref<20000x128xf32, #tpu.memory_space<hbm>> -> memref<624x128xf32, #tpu.memory_space<hbm>>
      %dma_wait3A_170 = arith.constant 0 : i32
      %dma_wait3A_171 = tpu.memref_slice %arg10[%multiple_of3A, %dma_wait3A_170] : memref<10128x128xf32, #tpu.memory_space<vmem_shared>> -> memref<624x128xf32, #tpu.memory_space<vmem_shared>>
      tpu.wait_dma2 semaphore(%run_scoped3A_163 : memref<!tpu.dma_semaphore, #tpu.memory_space<semaphore_mem>>) src(%dma_wait3A_171 : memref<624x128xf32, #tpu.memory_space<vmem_shared>>) dst(%dma_wait3A_169 : memref<624x128xf32, #tpu.memory_space<hbm>>)
      tpu.yield
    }) : () -> ()
    %eq3A_158 = arith.constant 0 : i32
    %eq3A_159 = arith.cmpi eq, %arg1, %eq3A_158 : i32
    %convert_element_type3A_160 = arith.extui %eq3A_159 : i1 to i32
    %cond3A_161 = arith.constant 0 : i32
    %cond3A_162 = arith.cmpi ne, %convert_element_type3A_160, %cond3A_161 : i32
    scf.if %cond3A_162 {
      %mul3A_163 = arith.constant 10000 : i32
      %mul3A_164 = arith.muli %arg0, %mul3A_163 : i32
      %add3A_165 = arith.constant 9984 : i32
      %add3A_166 = arith.addi %mul3A_164, %add3A_165 : i32
      %multiple_of3A_167 = tpu.assume_multiple %add3A_166, 8 : i32
      "tpu.region"() ({
        %run_scoped3A_168 = tpu.sem_alloc : memref<!tpu.dma_semaphore, #tpu.memory_space<semaphore_mem>>
        %dma_start3A_169 = arith.constant 0 : i32
        %dma_start3A_170 = tpu.memref_slice %arg5[%multiple_of3A_167, %dma_start3A_169] : memref<20000x128xf32, #tpu.memory_space<hbm>> -> memref<16x128xf32, #tpu.memory_space<hbm>>
        %dma_start3A_171 = arith.constant 9984 : i32
        %dma_start3A_172 = arith.constant 0 : i32
        %dma_start3A_173 = tpu.memref_slice %arg10[%dma_start3A_171, %dma_start3A_172] : memref<10128x128xf32, #tpu.memory_space<vmem_shared>> -> memref<16x128xf32, #tpu.memory_space<vmem_shared>>
        tpu.enqueue_dma source(%dma_start3A_173 : memref<16x128xf32, #tpu.memory_space<vmem_shared>>) target(%dma_start3A_170 : memref<16x128xf32, #tpu.memory_space<hbm>>) target_semaphore(%run_scoped3A_168 : memref<!tpu.dma_semaphore, #tpu.memory_space<semaphore_mem>>)
        %dma_wait3A_174 = arith.constant 0 : i32
        %dma_wait3A_175 = tpu.memref_slice %arg5[%multiple_of3A_167, %dma_wait3A_174] : memref<20000x128xf32, #tpu.memory_space<hbm>> -> memref<16x128xf32, #tpu.memory_space<hbm>>
        %dma_wait3A_176 = arith.constant 9984 : i32
        %dma_wait3A_177 = arith.constant 0 : i32
        %dma_wait3A_178 = tpu.memref_slice %arg10[%dma_wait3A_176, %dma_wait3A_177] : memref<10128x128xf32, #tpu.memory_space<vmem_shared>> -> memref<16x128xf32, #tpu.memory_space<vmem_shared>>
        tpu.wait_dma2 semaphore(%run_scoped3A_168 : memref<!tpu.dma_semaphore, #tpu.memory_space<semaphore_mem>>) src(%dma_wait3A_178 : memref<16x128xf32, #tpu.memory_space<vmem_shared>>) dst(%dma_wait3A_175 : memref<16x128xf32, #tpu.memory_space<hbm>>)
        tpu.yield
      }) : () -> ()
    } else {
    }
    return
  }
}

module attributes {stable_mosaic.version = 14 : i64} {
  func.func @body(%arg0: i32, %arg1: memref<1000x128xf32, #tpu.memory_space<vmem>>, %arg2: memref<1x1x1000xf32, #tpu.memory_space<vmem>>, %arg3: memref<128x129xf32, #tpu.memory_space<vmem>>, %arg4: memref<1x128xf32, #tpu.memory_space<vmem>>, %arg5: memref<128x128xf32, #tpu.memory_space<vmem>>, %arg6: memref<1x128xf32, #tpu.memory_space<vmem>>, %arg7: memref<1x128xf32, #tpu.memory_space<vmem>>, %arg8: memref<512x128xf32, #tpu.memory_space<vmem>>, %arg9: memref<1x512xf32, #tpu.memory_space<vmem>>, %arg10: memref<1x512xf32, #tpu.memory_space<vmem>>, %arg11: memref<2x256x128xi32, #tpu.memory_space<vmem>>, %arg12: memref<256x128xi32, #tpu.memory_space<vmem>>, %arg13: memref<256x128xi32, #tpu.memory_space<vmem>>, %arg14: memref<1000x128xf32, #tpu.memory_space<vmem>>, %arg15: memref<4000x128xf32, #tpu.memory_space<vmem>>, %arg16: memref<256x128xi32, #tpu.memory_space<vmem>>, %arg17: memref<256x128xi32, #tpu.memory_space<vmem>>) attributes {dimension_semantics = [#tpu.dimension_semantics<arbitrary>], iteration_bounds = array<i64: 10>, scalar_prefetch = 0 : i64, scratch_operands = 0 : i64, tpu.core_type = #tpu.core_type<tc>, window_params = [{transform_indices = @transform_0, window_bounds = array<i64: 1000, 128>}, {transform_indices = @transform_1, window_bounds = array<i64: 1, 1, 1000>}, {pipeline_mode = #tpu.pipeline_mode<synchronous>, transform_indices = @transform_2, window_bounds = array<i64: 128, 129>}, {pipeline_mode = #tpu.pipeline_mode<synchronous>, transform_indices = @transform_3, window_bounds = array<i64: 1, 128>}, {pipeline_mode = #tpu.pipeline_mode<synchronous>, transform_indices = @transform_4, window_bounds = array<i64: 128, 128>}, {pipeline_mode = #tpu.pipeline_mode<synchronous>, transform_indices = @transform_5, window_bounds = array<i64: 1, 128>}, {pipeline_mode = #tpu.pipeline_mode<synchronous>, transform_indices = @transform_6, window_bounds = array<i64: 1, 128>}, {pipeline_mode = #tpu.pipeline_mode<synchronous>, transform_indices = @transform_7, window_bounds = array<i64: 512, 128>}, {pipeline_mode = #tpu.pipeline_mode<synchronous>, transform_indices = @transform_8, window_bounds = array<i64: 1, 512>}, {pipeline_mode = #tpu.pipeline_mode<synchronous>, transform_indices = @transform_9, window_bounds = array<i64: 1, 512>}, {transform_indices = @transform_10, window_bounds = array<i64: 2, 256, 128>}, {transform_indices = @transform_11, window_bounds = array<i64: 256, 128>}, {transform_indices = @transform_12, window_bounds = array<i64: 256, 128>}, {transform_indices = @transform_13, window_bounds = array<i64: 1000, 128>}, {transform_indices = @transform_14, window_bounds = array<i64: 4000, 128>}, {transform_indices = @transform_15, window_bounds = array<i64: 256, 128>}, {transform_indices = @transform_16, window_bounds = array<i64: 256, 128>}]} {
    %get3A = arith.constant 0 : index
    %get3A_0 = arith.constant 0 : index
    %get3A_1 = vector.load %arg1[%get3A, %get3A_0] : memref<1000x128xf32, #tpu.memory_space<vmem>>, vector<1000x128xf32>
    %get3A_2 = arith.constant 0 : index
    %get3A_3 = arith.constant 0 : index
    %get3A_4 = arith.constant 0 : index
    %get3A_5 = vector.load %arg2[%get3A_2, %get3A_3, %get3A_4] : memref<1x1x1000xf32, #tpu.memory_space<vmem>>, vector<1x1x1000xf32>
    %reshape3A = vector.shape_cast %get3A_5 : vector<1x1x1000xf32> to vector<1000x1xf32>
    %concatenate3A = tpu.concatenate %get3A_1, %reshape3A in 1 : vector<1000x128xf32>, vector<1000x1xf32> -> vector<1000x129xf32>
    %get3A_6 = arith.constant 0 : index
    %get3A_7 = arith.constant 0 : index
    %get3A_8 = vector.load %arg3[%get3A_6, %get3A_7] : memref<128x129xf32, #tpu.memory_space<vmem>>, vector<128x129xf32>
    %dot_general3A = arith.constant dense<0.000000e+00> : vector<1000x128xf32>
    %dot_general3A_9 = tpu.matmul %concatenate3A, %get3A_8, %dot_general3A {dimension_numbers = #tpu.dot_dimension_numbers<[1], [1], [0], [0], [0, 0, 1, 0], [], []>, transpose_lhs_hint = false} : vector<1000x129xf32>, vector<128x129xf32>, vector<1000x128xf32> -> vector<1000x128xf32>
    %get3A_10 = arith.constant 0 : index
    %get3A_11 = arith.constant 0 : index
    %get3A_12 = vector.load %arg4[%get3A_10, %get3A_11] : memref<1x128xf32, #tpu.memory_space<vmem>>, vector<1x128xf32>
    %add3A = vector.broadcast %get3A_12 : vector<1x128xf32> to vector<1000x128xf32>
    %add3A_13 = arith.addf %dot_general3A_9, %add3A : vector<1000x128xf32>
    %max3A = arith.constant 0.000000e+00 : f32
    %max3A_14 = vector.broadcast %max3A : f32 to vector<1000x128xf32>
    %max3A_15 = arith.maximumf %add3A_13, %max3A_14 : vector<1000x128xf32>
    %get3A_16 = arith.constant 0 : index
    %get3A_17 = arith.constant 0 : index
    %get3A_18 = vector.load %arg5[%get3A_16, %get3A_17] : memref<128x128xf32, #tpu.memory_space<vmem>>, vector<128x128xf32>
    %dot_general3A_19 = arith.constant dense<0.000000e+00> : vector<1000x128xf32>
    %dot_general3A_20 = tpu.matmul %max3A_15, %get3A_18, %dot_general3A_19 {dimension_numbers = #tpu.dot_dimension_numbers<[1], [1], [0], [0], [0, 0, 1, 0], [], []>, transpose_lhs_hint = false} : vector<1000x128xf32>, vector<128x128xf32>, vector<1000x128xf32> -> vector<1000x128xf32>
    %reduce_sum3A = arith.constant dense<0.000000e+00> : vector<1000xf32>
    %reduce_sum3A_21 = vector.multi_reduction <add>, %dot_general3A_20, %reduce_sum3A [1] : vector<1000x128xf32> to vector<1000xf32>
    %broadcast_in_dim3A = vector.shape_cast %reduce_sum3A_21 : vector<1000xf32> to vector<1000x1xf32>
    %div3A = arith.constant 1.280000e+02 : f32
    %div3A_22 = vector.broadcast %div3A : f32 to vector<1000x1xf32>
    %div3A_23 = arith.divf %broadcast_in_dim3A, %div3A_22 : vector<1000x1xf32>
    %mul3A = arith.mulf %dot_general3A_20, %dot_general3A_20 : vector<1000x128xf32>
    %reduce_sum3A_24 = arith.constant dense<0.000000e+00> : vector<1000xf32>
    %reduce_sum3A_25 = vector.multi_reduction <add>, %mul3A, %reduce_sum3A_24 [1] : vector<1000x128xf32> to vector<1000xf32>
    %broadcast_in_dim3A_26 = vector.shape_cast %reduce_sum3A_25 : vector<1000xf32> to vector<1000x1xf32>
    %div3A_27 = arith.constant 1.280000e+02 : f32
    %div3A_28 = vector.broadcast %div3A_27 : f32 to vector<1000x1xf32>
    %div3A_29 = arith.divf %broadcast_in_dim3A_26, %div3A_28 : vector<1000x1xf32>
    %mul3A_30 = arith.mulf %div3A_23, %div3A_23 : vector<1000x1xf32>
    %sub3A = arith.subf %div3A_29, %mul3A_30 : vector<1000x1xf32>
    %sub3A_31 = vector.broadcast %div3A_23 : vector<1000x1xf32> to vector<1000x128xf32>
    %sub3A_32 = arith.subf %dot_general3A_20, %sub3A_31 : vector<1000x128xf32>
    %add3A_33 = arith.constant 9.99999974E-6 : f32
    %add3A_34 = vector.broadcast %add3A_33 : f32 to vector<1000x1xf32>
    %add3A_35 = arith.addf %sub3A, %add3A_34 : vector<1000x1xf32>
    %rsqrt3A = math.rsqrt %add3A_35 : vector<1000x1xf32>
    %mul3A_36 = vector.broadcast %rsqrt3A : vector<1000x1xf32> to vector<1000x128xf32>
    %mul3A_37 = arith.mulf %sub3A_32, %mul3A_36 : vector<1000x128xf32>
    %get3A_38 = arith.constant 0 : index
    %get3A_39 = arith.constant 0 : index
    %get3A_40 = vector.load %arg6[%get3A_38, %get3A_39] : memref<1x128xf32, #tpu.memory_space<vmem>>, vector<1x128xf32>
    %mul3A_41 = vector.broadcast %get3A_40 : vector<1x128xf32> to vector<1000x128xf32>
    %mul3A_42 = arith.mulf %mul3A_37, %mul3A_41 : vector<1000x128xf32>
    %get3A_43 = arith.constant 0 : index
    %get3A_44 = arith.constant 0 : index
    %get3A_45 = vector.load %arg7[%get3A_43, %get3A_44] : memref<1x128xf32, #tpu.memory_space<vmem>>, vector<1x128xf32>
    %add3A_46 = vector.broadcast %get3A_45 : vector<1x128xf32> to vector<1000x128xf32>
    %add3A_47 = arith.addf %mul3A_42, %add3A_46 : vector<1000x128xf32>
    %swap3A = arith.constant 0 : index
    %swap3A_48 = arith.constant 0 : index
    %swap3A_49 = vector.load %arg14[%swap3A, %swap3A_48] : memref<1000x128xf32, #tpu.memory_space<vmem>>, vector<1000x128xf32>
    tpu.vector_store %arg14[%swap3A, %swap3A_48], %add3A_47 {strides = array<i32>} : memref<1000x128xf32, #tpu.memory_space<vmem>>, vector<1000x128xf32>,
    %get3A_50 = arith.constant 0 : index
    %get3A_51 = arith.constant 0 : index
    %get3A_52 = vector.load %arg8[%get3A_50, %get3A_51] : memref<512x128xf32, #tpu.memory_space<vmem>>, vector<512x128xf32>
    %dot_general3A_53 = arith.constant dense<0.000000e+00> : vector<1000x512xf32>
    %dot_general3A_54 = tpu.matmul %add3A_47, %get3A_52, %dot_general3A_53 {dimension_numbers = #tpu.dot_dimension_numbers<[1], [1], [0], [0], [0, 0, 1, 0], [], []>, transpose_lhs_hint = false} : vector<1000x128xf32>, vector<512x128xf32>, vector<1000x512xf32> -> vector<1000x512xf32>
    %reduce_sum3A_55 = arith.constant dense<0.000000e+00> : vector<1000xf32>
    %reduce_sum3A_56 = vector.multi_reduction <add>, %dot_general3A_54, %reduce_sum3A_55 [1] : vector<1000x512xf32> to vector<1000xf32>
    %broadcast_in_dim3A_57 = vector.shape_cast %reduce_sum3A_56 : vector<1000xf32> to vector<1000x1xf32>
    %div3A_58 = arith.constant 5.120000e+02 : f32
    %div3A_59 = vector.broadcast %div3A_58 : f32 to vector<1000x1xf32>
    %div3A_60 = arith.divf %broadcast_in_dim3A_57, %div3A_59 : vector<1000x1xf32>
    %mul3A_61 = arith.mulf %dot_general3A_54, %dot_general3A_54 : vector<1000x512xf32>
    %reduce_sum3A_62 = arith.constant dense<0.000000e+00> : vector<1000xf32>
    %reduce_sum3A_63 = vector.multi_reduction <add>, %mul3A_61, %reduce_sum3A_62 [1] : vector<1000x512xf32> to vector<1000xf32>
    %broadcast_in_dim3A_64 = vector.shape_cast %reduce_sum3A_63 : vector<1000xf32> to vector<1000x1xf32>
    %div3A_65 = arith.constant 5.120000e+02 : f32
    %div3A_66 = vector.broadcast %div3A_65 : f32 to vector<1000x1xf32>
    %div3A_67 = arith.divf %broadcast_in_dim3A_64, %div3A_66 : vector<1000x1xf32>
    %mul3A_68 = arith.mulf %div3A_60, %div3A_60 : vector<1000x1xf32>
    %sub3A_69 = arith.subf %div3A_67, %mul3A_68 : vector<1000x1xf32>
    %sub3A_70 = vector.broadcast %div3A_60 : vector<1000x1xf32> to vector<1000x512xf32>
    %sub3A_71 = arith.subf %dot_general3A_54, %sub3A_70 : vector<1000x512xf32>
    %add3A_72 = arith.constant 9.99999974E-6 : f32
    %add3A_73 = vector.broadcast %add3A_72 : f32 to vector<1000x1xf32>
    %add3A_74 = arith.addf %sub3A_69, %add3A_73 : vector<1000x1xf32>
    %rsqrt3A_75 = math.rsqrt %add3A_74 : vector<1000x1xf32>
    %mul3A_76 = vector.broadcast %rsqrt3A_75 : vector<1000x1xf32> to vector<1000x512xf32>
    %mul3A_77 = arith.mulf %sub3A_71, %mul3A_76 : vector<1000x512xf32>
    %get3A_78 = arith.constant 0 : index
    %get3A_79 = arith.constant 0 : index
    %get3A_80 = vector.load %arg9[%get3A_78, %get3A_79] : memref<1x512xf32, #tpu.memory_space<vmem>>, vector<1x512xf32>
    %mul3A_81 = vector.broadcast %get3A_80 : vector<1x512xf32> to vector<1000x512xf32>
    %mul3A_82 = arith.mulf %mul3A_77, %mul3A_81 : vector<1000x512xf32>
    %get3A_83 = arith.constant 0 : index
    %get3A_84 = arith.constant 0 : index
    %get3A_85 = vector.load %arg10[%get3A_83, %get3A_84] : memref<1x512xf32, #tpu.memory_space<vmem>>, vector<1x512xf32>
    %add3A_86 = vector.broadcast %get3A_85 : vector<1x512xf32> to vector<1000x512xf32>
    %add3A_87 = arith.addf %mul3A_82, %add3A_86 : vector<1000x512xf32>
    %reshape3A_88 = vector.shape_cast %add3A_87 : vector<1000x512xf32> to vector<4000x128xf32>
    %swap3A_89 = arith.constant 0 : index
    %swap3A_90 = arith.constant 0 : index
    %swap3A_91 = vector.load %arg15[%swap3A_89, %swap3A_90] : memref<4000x128xf32, #tpu.memory_space<vmem>>, vector<4000x128xf32>
    tpu.vector_store %arg15[%swap3A_89, %swap3A_90], %reshape3A_88 {strides = array<i32>} : memref<4000x128xf32, #tpu.memory_space<vmem>>, vector<4000x128xf32>,
    %iota3A = tpu.iota {dimensions = array<i32: 0>} : vector<256x128xi32>
    %mul3A_92 = arith.constant 256 : i32
    %mul3A_93 = arith.muli %arg0, %mul3A_92 : i32
    %add3A_94 = vector.broadcast %mul3A_93 : i32 to vector<256x128xi32>
    %add3A_95 = arith.addi %iota3A, %add3A_94 : vector<256x128xi32>
    %iota3A_96 = tpu.iota {dimensions = array<i32: 1>} : vector<256x128xi32>
    %lt3A = arith.constant 2500 : i32
    %lt3A_97 = vector.broadcast %lt3A : i32 to vector<256x128xi32>
    %lt3A_98 = arith.cmpi slt, %add3A_95, %lt3A_97 : vector<256x128xi32>
    %get3A_99 = arith.constant 0 : index
    %get3A_100 = arith.constant 0 : index
    %get3A_101 = arith.constant 0 : index
    %get3A_102 = vector.load %arg11[%get3A_99, %get3A_100, %get3A_101] : memref<2x256x128xi32, #tpu.memory_space<vmem>>, vector<2x256x128xi32>
    %slice3A = vector.extract_strided_slice %get3A_102 {offsets = [1, 0, 0], sizes = [1, 256, 128], strides = [1, 1, 1]} : vector<2x256x128xi32> to vector<1x256x128xi32>
    %squeeze3A = vector.shape_cast %slice3A : vector<1x256x128xi32> to vector<256x128xi32>
    %mul3A_103 = arith.constant 4 : i32
    %mul3A_104 = vector.broadcast %mul3A_103 : i32 to vector<256x128xi32>
    %mul3A_105 = arith.muli %squeeze3A, %mul3A_104 : vector<256x128xi32>
    %get3A_106 = arith.constant 0 : index
    %get3A_107 = arith.constant 0 : index
    %get3A_108 = vector.load %arg12[%get3A_106, %get3A_107] : memref<256x128xi32, #tpu.memory_space<vmem>>, vector<256x128xi32>
    %mul3A_109 = arith.constant 2 : i32
    %mul3A_110 = vector.broadcast %mul3A_109 : i32 to vector<256x128xi32>
    %mul3A_111 = arith.muli %get3A_108, %mul3A_110 : vector<256x128xi32>
    %add3A_112 = arith.addi %mul3A_105, %mul3A_111 : vector<256x128xi32>
    %get3A_113 = arith.constant 0 : index
    %get3A_114 = arith.constant 0 : index
    %get3A_115 = vector.load %arg13[%get3A_113, %get3A_114] : memref<256x128xi32, #tpu.memory_space<vmem>>, vector<256x128xi32>
    %add3A_116 = arith.addi %add3A_112, %get3A_115 : vector<256x128xi32>
    %mul3A_117 = arith.constant 2731 : i32
    %mul3A_118 = vector.broadcast %mul3A_117 : i32 to vector<256x128xi32>
    %mul3A_119 = arith.muli %add3A_95, %mul3A_118 : vector<256x128xi32>
    %mul3A_120 = arith.constant 997 : i32
    %mul3A_121 = vector.broadcast %mul3A_120 : i32 to vector<256x128xi32>
    %mul3A_122 = arith.muli %iota3A_96, %mul3A_121 : vector<256x128xi32>
    %add3A_123 = arith.addi %mul3A_119, %mul3A_122 : vector<256x128xi32>
    %and3A = arith.constant 16383 : i32
    %and3A_124 = vector.broadcast %and3A : i32 to vector<256x128xi32>
    %and3A_125 = arith.andi %add3A_123, %and3A_124 : vector<256x128xi32>
    %select_n3A = arith.select %lt3A_98, %add3A_116, %and3A_125 : vector<256x128xi1>, vector<256x128xi32>
    %swap3A_126 = arith.constant 0 : index
    %swap3A_127 = arith.constant 0 : index
    %swap3A_128 = vector.load %arg16[%swap3A_126, %swap3A_127] : memref<256x128xi32, #tpu.memory_space<vmem>>, vector<256x128xi32>
    tpu.vector_store %arg16[%swap3A_126, %swap3A_127], %select_n3A {strides = array<i32>} : memref<256x128xi32, #tpu.memory_space<vmem>>, vector<256x128xi32>,
    %slice3A_129 = vector.extract_strided_slice %get3A_102 {offsets = [0, 0, 0], sizes = [1, 256, 128], strides = [1, 1, 1]} : vector<2x256x128xi32> to vector<1x256x128xi32>
    %squeeze3A_130 = vector.shape_cast %slice3A_129 : vector<1x256x128xi32> to vector<256x128xi32>
    %add3A_131 = arith.constant 10000 : i32
    %add3A_132 = vector.broadcast %add3A_131 : i32 to vector<256x128xi32>
    %add3A_133 = arith.addi %add3A_132, %iota3A_96 : vector<256x128xi32>
    %select_n3A_134 = arith.select %lt3A_98, %squeeze3A_130, %add3A_133 : vector<256x128xi1>, vector<256x128xi32>
    %swap3A_135 = arith.constant 0 : index
    %swap3A_136 = arith.constant 0 : index
    %swap3A_137 = vector.load %arg17[%swap3A_135, %swap3A_136] : memref<256x128xi32, #tpu.memory_space<vmem>>, vector<256x128xi32>
    tpu.vector_store %arg17[%swap3A_135, %swap3A_136], %select_n3A_134 {strides = array<i32>} : memref<256x128xi32, #tpu.memory_space<vmem>>, vector<256x128xi32>,
    return
  }
  func.func @transform_0(%arg0: i32) -> (i32, i32) {
    %c0_i32 = arith.constant 0 : i32
    %c0_i32_0 = arith.constant 0 : i32
    return %arg0, %c0_i32 : i32, i32
  }
  func.func @transform_1(%arg0: i32) -> (i32, i32, i32) {
    %c0_i32 = arith.constant 0 : i32
    %c0_i32_0 = arith.constant 0 : i32
    %c0_i32_1 = arith.constant 0 : i32
    return %arg0, %c0_i32, %c0_i32_0 : i32, i32, i32
  }
  func.func @transform_2(%arg0: i32) -> (i32, i32) {
    %c0_i32 = arith.constant 0 : i32
    %c0_i32_0 = arith.constant 0 : i32
    %c0_i32_1 = arith.constant 0 : i32
    return %c0_i32, %c0_i32_0 : i32, i32
  }
  func.func @transform_3(%arg0: i32) -> (i32, i32) {
    %c0_i32 = arith.constant 0 : i32
    %c0_i32_0 = arith.constant 0 : i32
    %c0_i32_1 = arith.constant 0 : i32
    return %c0_i32, %c0_i32_0 : i32, i32
  }
  func.func @transform_4(%arg0: i32) -> (i32, i32) {
    %c0_i32 = arith.constant 0 : i32
    %c0_i32_0 = arith.constant 0 : i32
    %c0_i32_1 = arith.constant 0 : i32
    return %c0_i32, %c0_i32_0 : i32, i32
  }
  func.func @transform_5(%arg0: i32) -> (i32, i32) {
    %c0_i32 = arith.constant 0 : i32
    %c0_i32_0 = arith.constant 0 : i32
    %c0_i32_1 = arith.constant 0 : i32
    return %c0_i32, %c0_i32_0 : i32, i32
  }
  func.func @transform_6(%arg0: i32) -> (i32, i32) {
    %c0_i32 = arith.constant 0 : i32
    %c0_i32_0 = arith.constant 0 : i32
    %c0_i32_1 = arith.constant 0 : i32
    return %c0_i32, %c0_i32_0 : i32, i32
  }
  func.func @transform_7(%arg0: i32) -> (i32, i32) {
    %c0_i32 = arith.constant 0 : i32
    %c0_i32_0 = arith.constant 0 : i32
    %c0_i32_1 = arith.constant 0 : i32
    return %c0_i32, %c0_i32_0 : i32, i32
  }
  func.func @transform_8(%arg0: i32) -> (i32, i32) {
    %c0_i32 = arith.constant 0 : i32
    %c0_i32_0 = arith.constant 0 : i32
    %c0_i32_1 = arith.constant 0 : i32
    return %c0_i32, %c0_i32_0 : i32, i32
  }
  func.func @transform_9(%arg0: i32) -> (i32, i32) {
    %c0_i32 = arith.constant 0 : i32
    %c0_i32_0 = arith.constant 0 : i32
    %c0_i32_1 = arith.constant 0 : i32
    return %c0_i32, %c0_i32_0 : i32, i32
  }
  func.func @transform_10(%arg0: i32) -> (i32, i32, i32) {
    %c0_i32 = arith.constant 0 : i32
    %c0_i32_0 = arith.constant 0 : i32
    %c0_i32_1 = arith.constant 0 : i32
    return %c0_i32, %arg0, %c0_i32_0 : i32, i32, i32
  }
  func.func @transform_11(%arg0: i32) -> (i32, i32) {
    %c0_i32 = arith.constant 0 : i32
    %c0_i32_0 = arith.constant 0 : i32
    return %arg0, %c0_i32 : i32, i32
  }
  func.func @transform_12(%arg0: i32) -> (i32, i32) {
    %c0_i32 = arith.constant 0 : i32
    %c0_i32_0 = arith.constant 0 : i32
    return %arg0, %c0_i32 : i32, i32
  }
  func.func @transform_13(%arg0: i32) -> (i32, i32) {
    %c0_i32 = arith.constant 0 : i32
    %c0_i32_0 = arith.constant 0 : i32
    return %arg0, %c0_i32 : i32, i32
  }
  func.func @transform_14(%arg0: i32) -> (i32, i32) {
    %c0_i32 = arith.constant 0 : i32
    %c0_i32_0 = arith.constant 0 : i32
    return %arg0, %c0_i32 : i32, i32
  }
  func.func @transform_15(%arg0: i32) -> (i32, i32) {
    %c0_i32 = arith.constant 0 : i32
    %c0_i32_0 = arith.constant 0 : i32
    return %arg0, %c0_i32 : i32, i32
  }
  func.func @transform_16(%arg0: i32) -> (i32, i32) {
    %c0_i32 = arith.constant 0 : i32
    %c0_i32_0 = arith.constant 0 : i32
    return %arg0, %c0_i32 : i32, i32
  }
}

module attributes {stable_mosaic.version = 14 : i64} {
  func.func @_add_body(%arg0: i32, %arg1: memref<2x2000x128xf32, #tpu.memory_space<vmem>>, %arg2: memref<2000x128xf32, #tpu.memory_space<vmem>>) attributes {dimension_semantics = [#tpu.dimension_semantics<arbitrary>], iteration_bounds = array<i64: 5>, scalar_prefetch = 0 : i64, scratch_operands = 0 : i64, tpu.core_type = #tpu.core_type<tc>, window_params = [{transform_indices = @transform_0, window_bounds = array<i64: 2, 2000, 128>}, {transform_indices = @transform_1, window_bounds = array<i64: 2000, 128>}]} {
    %get3A = arith.constant 0 : index
    %get3A_0 = arith.constant 0 : index
    %get3A_1 = arith.constant 0 : index
    %get3A_2 = vector.load %arg1[%get3A, %get3A_0, %get3A_1] : memref<2x2000x128xf32, #tpu.memory_space<vmem>>, vector<1x2000x128xf32>
    %get3A_3 = vector.shape_cast %get3A_2 : vector<1x2000x128xf32> to vector<2000x128xf32>
    %get3A_4 = arith.constant 1 : index
    %get3A_5 = arith.constant 0 : index
    %get3A_6 = arith.constant 0 : index
    %get3A_7 = vector.load %arg1[%get3A_4, %get3A_5, %get3A_6] : memref<2x2000x128xf32, #tpu.memory_space<vmem>>, vector<1x2000x128xf32>
    %get3A_8 = vector.shape_cast %get3A_7 : vector<1x2000x128xf32> to vector<2000x128xf32>
    %add3A = arith.addf %get3A_3, %get3A_8 : vector<2000x128xf32>
    %swap3A = arith.constant 0 : index
    %swap3A_9 = arith.constant 0 : index
    %swap3A_10 = vector.load %arg2[%swap3A, %swap3A_9] : memref<2000x128xf32, #tpu.memory_space<vmem>>, vector<2000x128xf32>
    tpu.vector_store %arg2[%swap3A, %swap3A_9], %add3A {strides = array<i32>} : memref<2000x128xf32, #tpu.memory_space<vmem>>, vector<2000x128xf32>,
    return
  }
  func.func @transform_0(%arg0: i32) -> (i32, i32, i32) {
    %c0_i32 = arith.constant 0 : i32
    %c0_i32_0 = arith.constant 0 : i32
    %c0_i32_1 = arith.constant 0 : i32
    return %c0_i32, %arg0, %c0_i32_0 : i32, i32, i32
  }
  func.func @transform_1(%arg0: i32) -> (i32, i32) {
    %c0_i32 = arith.constant 0 : i32
    %c0_i32_0 = arith.constant 0 : i32
    return %arg0, %c0_i32 : i32, i32
  }
}

</mosaic_0001>

<sc_bundles>
// kernel: kernel.5.cloned.1.call-start
scs
__scs_entry_jumppad:
0x0: {  	(pc) =	sbr.rel $0x88, $3  }
0x1: {  	(tag) =	ssettag $0x0;
	lr =	simm.s32 $0x1  }
0x2: {  	[smem:$0x3F94] =	sst lr;
	_ =	strace $0xD0000000  }
0x3: {  	_ = 	snop  }
0x4: {  	_ = 	snop  }
0x5: {  	_ = 	snop  }
0x6: {  	_ = 	snop  }
0x7: {  	_ = 	snop  }
__scs_overlays_trampoline_lowered:
0x8: {  	[smem:$0x3FA3] =	sst s0  }
0x9: {  	[smem:$0x3FA4] =	sst s1  }
0xa: {  	[smem:$0x3FA5] =	sst s2  }
0xb: {  	[smem:$0x3FA6] =	sst s3  }
0xc: {  	[smem:$0x3FA7] =	sst s4  }
0xd: {  	[smem:$0x3FA8] =	sst s5  }
0xe: {  	[smem:$0x3FA9] =	sst s6  }
0xf: {  	[smem:$0x3FAA] =	sst s7  }
0x10: {  	[smem:$0x3FAB] =	sst s8  }
0x11: {  	[smem:$0x3FAC] =	sst s9;
	s0 =	simm.s32 @!p0 $0x0  }
0x12: {  	s1 =	sld [smem:$0x3F92];
	s0 =	simm.s32 @p0 $0x1  }
0x13: {  	[smem:$0x3FAD] =	sst s0;
	s0 =	simm.s32 @!p1 $0x0  }
0x14: {  	s2 =	sld [smem:$0x3F91];
	s0 =	simm.s32 @p1 $0x1  }
0x15: {  	[smem:$0x3FAE] =	sst s0;
	s0 =	simm.s32 @!p2 $0x0  }
0x16: {  	s3 =	sld [smem:$0x3FDB];
	s0 =	simm.s32 @p2 $0x1  }
0x17: {  	s4 =	simm.s32 $0x1BF5;
	[smem:$0x3FB0] =	sst s0  }
0x18: {  	s0 =	sld [smem:$0x3F93];
	_ =	swait.ge [sflag:s4], $0x0  }
0x19: {  	s7 =	sld [smem:$0x3F94]  }
0x1a: {  	s8 =	sadd.s32 $0xFFFFE003, lr  }
0x1b: {  	s9 =	sadd.s32 $0xFFFFFEF7, lr;
	s5 =	simm.s32 $0xFFFFFFFF;
	p2 =	slt.u32 s8, $0xFFFFF086  }
0x1c: {  	p1 =	slt.u32 s9, $0xF7A;
	s5 =	simm.s32 @!p2 $0x0  }
0x1d: {  	s5 =	simm.s32 @p1 $0x1;
	p0 =	seq.s32 s7, s2  }
0x1e: {  	s7 =	smul.u32 @!p0 $0xF7A, s2;
	p2 =	seq.s32 @!p0 s5, $0x0  }
0x1f: {  	s9 =	smul.u32 $0xF7A, s1;
	s8 =	simm.s32 @!p0 $0x1BF5;
	p2 =	por !p2, p0  }
0x20: {  	[sflag:s8] =	ssyncset.s32 @!p0 $0xFFFFF086;
	s6 =	sadd.s32 @!p0 s3, s7;
	s7 =	simm.s32 @!p0 $0x108  }
0x21: {  	s3 =	sadd.s32 s3, s9;
	s6 =	sadd.s32 @!p0 $0x88, s6;
	s7 =	simm.s32 @p2 $0x1082  }
0x22: {  	[simem:s7], [sflag:s8] =	dma.local @!p0 [hbm:s6], $0xF7A  }
0x23: {  	s9 =	sor.u32 $0xD0000000, s2;
	s6 =	simm.s32 $0x108;
	_ =	swait.ge @!p0 [sflag:s8], $0x0  }
0x24: {  	s3 =	sadd.s32 $0x88, s3;
	s6 =	simm.s32 @!p1 $0x1082;
	[sflag:s4] =	ssyncset.s32 $0xFFFFF086  }
0x25: {  	[simem:s6], [sflag:s4] =	dma.local [hbm:s3], $0xF7A  }
0x26: {  	[smem:$0x3F94] =	sst s1;
	(tag) =	ssettag s2;
	_ =	strace s9  }
0x27: {  	s1 =	sld [smem:$0x3FA4]  }
0x28: {  	s2 =	sld [smem:$0x3FA5]  }
0x29: {  	s4 =	sld [smem:$0x3FA7]  }
0x2a: {  	p0 =	seq.s32 s5, $0x0;
	s5 =	sld [smem:$0x3FA8]  }
0x2b: {  	s6 =	sld [smem:$0x3FA9]  }
0x2c: {  	s7 =	sld [smem:$0x3FAA]  }
0x2d: {  	s3 =	simm.s32 $0x108;
	s8 =	sld [smem:$0x3FAB]  }
0x2e: {  	s3 =	simm.s32 @!p0 $0x1082;
	s9 =	sld [smem:$0x3FAC]  }
0x2f: {  	lr =	sadd.s32 s0, s3;
	s0 =	sld [smem:$0x3FA3]  }
0x30: {  	s3 =	sld [smem:$0x3FA6]  }
0x31: {  	[smem:$0x3FAF] =	sst s10  }
0x32: {  	s10 =	sld [smem:$0x3FAD];
	_ =	sdelay $0x3  }
0x33: {  	p0 =	seq.s32 s10, $0x1;
	s10 =	sld [smem:$0x3FAF];
	_ =	sdelay $0x3  }
0x34: {  	[smem:$0x3FAF] =	sst s10  }
0x35: {  	s10 =	sld [smem:$0x3FAE];
	_ =	sdelay $0x3  }
0x36: {  	p1 =	seq.s32 s10, $0x1;
	s10 =	sld [smem:$0x3FAF];
	_ =	sdelay $0x3  }
0x37: {  	[smem:$0x3FAF] =	sst s10  }
0x38: {  	s10 =	sld [smem:$0x3FB0]  }
0x39: {  	_ = 	snop;
	(pc) =	sbr.ind lr, $3  }
0x3a: {  	_ = 	snop  }
0x3b: {  	_ = 	snop  }
0x3c: {  	p2 =	seq.s32 s10, $0x1;
	s10 =	sld [smem:$0x3FAF]  }
0x3d: {  	_ =	shalt  }
0x3e: {  	_ =	shalt  }
0x3f: {  	_ =	shalt  }
0x40: {  	_ =	shalt  }
0x41: {  	_ =	shalt  }
0x42: {  	_ =	shalt  }
0x43: {  	_ =	shalt  }
0x44: {  	_ =	shalt  }
0x45: {  	_ =	shalt  }
0x46: {  	_ =	shalt  }
0x47: {  	_ =	shalt  }
0x48: {  	_ =	shalt  }
0x49: {  	_ =	shalt  }
0x4a: {  	_ =	shalt  }
0x4b: {  	_ =	shalt  }
0x4c: {  	_ =	shalt  }
0x4d: {  	_ =	shalt  }
0x4e: {  	_ =	shalt  }
0x4f: {  	_ =	shalt  }
0x50: {  	_ =	shalt  }
0x51: {  	_ =	shalt  }
0x52: {  	_ =	shalt  }
0x53: {  	_ =	shalt  }
0x54: {  	_ =	shalt  }
0x55: {  	_ =	shalt  }
0x56: {  	_ =	shalt  }
0x57: {  	_ =	shalt  }
0x58: {  	_ =	shalt  }
0x59: {  	_ =	shalt  }
0x5a: {  	_ =	shalt  }
0x5b: {  	_ =	shalt  }
0x5c: {  	_ =	shalt  }
0x5d: {  	_ =	shalt  }
0x5e: {  	_ =	shalt  }
0x5f: {  	_ =	shalt  }
0x60: {  	_ =	shalt  }
0x61: {  	_ =	shalt  }
0x62: {  	_ =	shalt  }
0x63: {  	_ =	shalt  }
0x64: {  	_ =	shalt  }
0x65: {  	_ =	shalt  }
0x66: {  	_ =	shalt  }
0x67: {  	_ =	shalt  }
0x68: {  	_ =	shalt  }
0x69: {  	_ =	shalt  }
0x6a: {  	_ =	shalt  }
0x6b: {  	_ =	shalt  }
0x6c: {  	_ =	shalt  }
0x6d: {  	_ =	shalt  }
0x6e: {  	_ =	shalt  }
0x6f: {  	_ =	shalt  }
0x70: {  	_ =	shalt  }
0x71: {  	_ =	shalt  }
0x72: {  	_ =	shalt  }
0x73: {  	_ =	shalt  }
0x74: {  	_ =	shalt  }
0x75: {  	_ =	shalt  }
0x76: {  	_ =	shalt  }
0x77: {  	_ =	shalt  }
0x78: {  	_ =	shalt  }
0x79: {  	_ =	shalt  }
0x7a: {  	_ =	shalt  }
0x7b: {  	_ =	shalt  }
0x7c: {  	_ =	shalt  }
0x7d: {  	_ =	shalt  }
0x7e: {  	_ =	shalt  }
0x7f: {  	_ =	shalt  }
0x80: {  	_ =	shalt  }
0x81: {  	_ =	shalt  }
0x82: {  	_ =	shalt  }
0x83: {  	_ =	shalt  }
0x84: {  	_ =	shalt  }
0x85: {  	_ =	shalt  }
0x86: {  	_ =	shalt  }
0x87: {  	_ =	shalt  }
.Lfunc_end0:
.L_simem_size_0:
called_computation_lowered:
.L_overlay_start_0:
0x88: {  	s2 =	sld [smem:$0x3FD9]  }
0x89: {  	s3 =	sld [smem:$0x3FFE];
	_ =	sdelay $0x1  }
0x8a: {  	s1 =	srdreg.scid  }
0x8b: {  	s0 =	sand.u32 $0x1, s1  }
0x8c: {  	s14 =	sshll.u32 s0, $0xA;
	s2 =	sadd.s32 s3, s2  }
0x8d: {  	s2 =	sadd.s32 s2, s14  }
0x8e: {  	[smem:$0x3FBB] =	sst s2  }
0x8f: {  	_ = 	snop  }
0x90: {  	s2 =	sld [smem:$0x3FD0];
	_ =	sdelay $0x2  }
0x91: {  	s15 =	simm.s32 $0xA;
	s4 =	simm.s32 $0x10  }
0x92: {  	[smem:s4], [sflag:s15] =	dma.local [hbm:s2], $0x1  }
0x93: {  	_ =	swait.eq [sflag:s15], $0x1  }
0x94: {  	[sflag:s15] =	ssyncset.done $0x0  }
0x95: {  	[sflag:s15] =	ssyncadd.s32 $0xFFFFFFFF  }
0x96: {  	s16 =	sld [smem:$0x10];
	(tm) =	ssettm $0x1  }
0x97: {  	s17 =	sld [smem:$0x3FFB];
	_ =	sdelay $0x3  }
0x98: {  	_ =	strace s17  }
0x99: {  	s3 =	sld [smem:$0x3FFC];
	_ =	sdelay $0x3  }
0x9a: {  	_ =	strace s3  }
0x9b: {  	s3 =	sld [smem:$0x3FFD];
	_ =	sdelay $0x3  }
0x9c: {  	_ =	strace s3  }
0x9d: {  	_ =	strace $0x8FFFFFFF  }
0x9e: {  	s18 =	sld [smem:$0x3FDB];
	_ =	sdelay $0x1  }
0x9f: {  	s19 =	simm.s32 $_scs_section_size  }
0xa0: {  	s5 =	simm.s32 $_size__tile_overlayer_lowered;
	s6 =	simm.s32 $_tile_overlayer_lowered  }
0xa1: {  	s22 =	simm.s32 $0x1BFF;
	s21 =	sshll.u32 s6, $0x1;
	s3 =	sadd.s32 s19, s18  }
0xa2: {  	s7 =	simm.s32 $0x0;
	s20 =	sshll.u32 s5, $0x1;
	s5 =	sadd.s32 s21, s3  }
0xa3: {  	[timem:s7], [sflag:s22] =	dma.local [hbm:s5], s20  }
0xa4: {  	_ =	swait.ge [sflag:s22], s20  }
0xa5: {  	s4 =	ssub.s32 $0x0, s20;
	[sflag:s22] =	ssyncset.done $0x0  }
0xa6: {  	[sflag:s22] =	ssyncadd.s32 s4;
	_ =	sdelay $0x1  }
0xa7: {  	s23 =	simm.s32 $0x1B8B  }
0xa8: {  	_ =	swait.ge [sflag:s23], $0x1  }
0xa9: {  	[sflag:s23] =	ssyncset.done $0x0  }
0xaa: {  	s25 =	simm.s32 $0x1B8E;
	s24 =	sld [smem:$0x3FFE];
	[sflag:s23] =	ssyncadd.s32 $0xFFFFFFFF  }
0xab: {  	s26 =	simm.s32 $execute0_lowered;
	[smem:$0x3FD2] =	sst s25  }
0xac: {  	s5 =	sshll.u32 s26, $0x1;
	_ =	strace $0x80000046;
	[dreg:$0x1] =	wrdreg $0xFFFFFFFF  }
0xad: {  	s28 =	simm.s32 $_size_execute0_lowered;
	s3 =	sadd.s32 s3, s5;
	[dreg:$0x0] =	wrdreg $0x0  }
0xae: {  	s5 =	sshll.u32 s28, $0x1;
	[dreg:$0x2] =	wrdreg s3  }
0xaf: {  	[dreg:$0x3] =	wrdreg s5  }
0xb0: {  	[dreg:$0x4] =	wrdreg $0xC0  }
0xb1: {  	_ =	task [dreg:s7], $0x5FFFF  }
0xb2: {  	[dreg:$0x1] =	wrdreg $0xFFFFFFFF  }
0xb3: {  	[dreg:$0x0] =	wrdreg $0x60  }
0xb4: {  	[dreg:$0x2] =	wrdreg s24  }
0xb5: {  	[dreg:$0x3] =	wrdreg s16  }
0xb6: {  	[dreg:$0x4] =	wrdreg $0xA8000  }
0xb7: {  	[dreg:$0x5] =	wrdreg $0x9  }
0xb8: {  	_ =	task.clear_ibuf [dreg:s7], $0x6FFFF;
	_ =	strace $0x90000046  }
0xb9: {  	s29 =	simm.s32 $0x9;
	_ =	strace $0x80000048  }
0xba: {  	_ =	swait.ge [sflag:s29], $0x1  }
0xbb: {  	[sflag:s29] =	ssyncadd.s32 $0xFFFFFFFF  }
0xbc: {  	_ =	strace $0x90000048  }
0xbd: {  	_ =	sfence  }
0xbe: {  	s30 =	sld [smem:$0x0];
	_ =	sdelay $0x2  }
0xbf: {  	s31 =	sshll.u32 s1, $0xD;
	s1 =	sshrl.u32 s1, $0x2  }
0xc0: {  	s3 =	sand.u32 $0x4000, s31;
	s1 =	sadd.s32 s1, s30  }
0xc1: {  	s0 =	sor.u32 s3, s0;
	s1 =	sshll.u32 s1, $0x11  }
0xc2: {  	s0 =	sor.u32 s1, s0  }
0xc3: {  	s0 =	sadd.s32 $0x8F2B, s0  }
0xc4: {  	[sflag:s0] =	ssyncadd.remote.s32 $0x1  }
0xc5: {  	_ =	sfence.sel $0xFFFF  }
0xc6: {  	[dreg:$0x0] =	wrdreg $0xFFFFFFFF;
	(pc) =	sbr.abs _section_cstart, $3  }
0xc7: {  	[dreg:$0x1] =	wrdreg $0xFFFFFFFF  }
0xc8: {  	_ =	task.clear_ibuf [dreg:s7], $0x2FFFF;
	_ =	strace $0x9FFFFFFF  }
0xc9: {  	(tm) =	ssettm $0x7FFFFFFF  }
tec
execute0_lowered:
.L_overlay_start_1:
0x0: {  	(tag) =	ssettag $0x1  }
0x1: {  	s5 =	rddreg [dreg:$0x0]  }
0x2: {  	s13 =	rddreg [dreg:$0x1]  }
0x3: {  	s1 =	rddreg [dreg:$0x2];
	s2 =	simm.s32 $0x0;
	s6 =	srdreg.scid  }
0x4: {  	s0 =	stileid.u32;
	s22 =	simm.s32 $0x80;
	s23 =	simm.s32 $0x6800  }
0x5: {  	s24 =	simm.s32 $0x2;
	s25 =	simm.s32 $0x1380;
	s28 =	simm.s32 $0x2780  }
0x6: {  	[smem:$0x7FF] =	sst s2;
	s4 =	sadd.s32 $0x2000, s5;
	s12 =	sand.u32 $0x1, s6  }
0x7: {  	s26 =	smul.u32 $0x4E000, s0;
	s14 =	sadd.s32 $0x9E400, s5;
	s15 =	sadd.s32 $0xA8400, s5  }
0x8: {  	s29 =	sshll.u32 s0, $0x1;
	s16 =	smul.u32 $0x2700, s0;
	s10 =	sadd.s32 $0x138000, s1  }
0x9: {  	p0 =	sne.s32 s0, $0x0;
	_ =	strace $0x80000047;
	s20 =	smul.u32 $0x138800, s12  }
0xa: {  	s7 =	ssub.s32 $0x2, s12;
	s9 =	sor.u32 s12, s29;
	s21 =	smul.u32 $0x27100, s12  }
0xb: {  	s8 =	sshrl.u32 s7, $0x1;
	s6 =	sshrl.u32 s26, $0x2;
	s18 =	smul.u32 $0x500, s9  }
0xc: {  	s19 =	smul.u32 $0x2800, s9;
	s26 =	simm.s32 $0x2700;
	s5 =	sadd.s32 s6, s1  }
0xd: {  	s17 =	ssub.s32 s7, s8;
	s31 =	sshrl.u32 s20, $0x3;
	s16 =	sadd.s32 s16, s21  }
0xe: {  	s20 =	simm.s32 $0x1400;
	s21 =	simm.s32 $0x1;
	s6 =	sadd.s32 $0x4000, s5  }
0xf: {  	s7 =	sadd.s32 $0x8000, s5;
	s8 =	sadd.s32 $0xC000, s5;
	s9 =	sadd.s32 $0x10000, s5  }
0x10: {  	s11 =	sadd.s32 s13, s18;
	s19 =	sshrl.u32 s19, $0x3;
	s12 =	sadd.s32 s14, s18  }
0x11: {  	s17 =	smax.u32 s17, $0x1;
	s18 =	simm.s32 $0x2800;
	s30 =	sadd.s32 $0x280, s19  }
0x12: {  	s19 =	sadd.s32 s15, s31;
	s15 =	sadd.s32 s15, s16;
	s13 =	sadd.s32 s13, s30  }
0x13: {  	v0 =	vimm.f32 $0.0e+00;
	s14 =	sadd.s32 s14, s30;
	s16 =	sadd.s32 $0x27000, s19;
	s19 =	simm.s32 $0x3  }
.LBB2_1:
0x14: {  	s29 =	simm.s32 $0x0;
	s30 =	simm.s32 $0x200  }
.LBB2_2:
0x15: {  	p1 =	sne.s32 s30, $0xFE00;
	[tilespmem:s29+$0x2870] =	vst v0  }
0x16: {  	[tilespmem:s29+$0x2800] =	vst v0  }
0x17: {  	[tilespmem:s29+$0x2810] =	vst v0  }
.Ltmp0:
0x18: {  	[tilespmem:s29+$0x2820] =	vst v0;
	(pc) =	sbr.rel @p1 .LBB2_2-.Ltmp0, $4  }
0x19: {  	[tilespmem:s29+$0x2830] =	vst v0  }
0x1a: {  	[tilespmem:s29+$0x2840] =	vst v0  }
0x1b: {  	[tilespmem:s29+$0x2850] =	vst v0  }
0x1c: {  	[tilespmem:s29+$0x2860] =	vst v0;
	s29 =	sshra.s32 s30, $0x2;
	s30 =	sadd.s32 $0x200, s30  }
0x1d: {  	[tilespmem:s29+$0x2870] =	vst v0  }
0x1e: {  	[tilespmem:s29+$0x2800] =	vst v0  }
0x1f: {  	[tilespmem:s29+$0x2810] =	vst v0  }
0x20: {  	[tilespmem:s29+$0x2820] =	vst v0  }
0x21: {  	[tilespmem:s29+$0x2830] =	vst v0  }
0x22: {  	[tilespmem:s29+$0x2840] =	vst v0  }
0x23: {  	[tilespmem:s29+$0x2850] =	vst v0  }
0x24: {  	[tilespmem:s29+$0x2860] =	vst v0  }
0x25: {  	[spmem:s5] =	stream.linear.scatter [tilespmem:s18], [sflag:$0x1], $0x4000, $0x38;
	[tilespmem:$0x1E480] =	vst v63  }
0x26: {  	_ = 	snop  }
0x27: {  	[spmem:s6] =	stream.linear.scatter [tilespmem:s18], [sflag:$0x1], $0x4000, $0x38;
	[tilespmem:$0x1E480] =	vst v63  }
0x28: {  	_ = 	snop  }
0x29: {  	[spmem:s7] =	stream.linear.scatter [tilespmem:s18], [sflag:$0x1], $0x4000, $0x38;
	[tilespmem:$0x1E480] =	vst v63  }
0x2a: {  	_ = 	snop  }
0x2b: {  	[spmem:s8] =	stream.linear.scatter [tilespmem:s18], [sflag:$0x1], $0x4000, $0x38;
	[tilespmem:$0x1E480] =	vst v63  }
0x2c: {  	_ = 	snop  }
0x2d: {  	[spmem:s9] =	stream.linear.scatter [tilespmem:s18], [sflag:$0x1], $0x3800, $0x38;
	[tilespmem:$0x1E480] =	vst v63  }
0x2e: {  	s29 =	simm.s32 @!p0 $0x2800  }
0x2f: {  	[spmem:s10] =	stream.linear.scatter @!p0 [tilespmem:s29], [sflag:$0x3], $0x800, $0x38;
	[tilespmem:$0x1E480] =	vst v63  }
0x30: {  	s29 =	simm.s32 @!p0 $0x3  }
0x31: {  	_ =	swait.ge @!p0 [sflag:s29], $0x800  }
0x32: {  	[sflag:s29] =	ssyncset.done @!p0 $0x0  }
0x33: {  	[sflag:s29] =	ssyncadd.s32 @!p0 $0xFFFFF800;
	s29 =	simm.s32 $0x0  }
0x34: {  	[tilespmem:s29], [sflag:$0x3] =	stream.linear.gather [hbm4b:s11+s29], $0x1400, $0x38;
	[tilespmem:$0x1E480] =	vst v63  }
0x35: {  	_ =	swait.ge [sflag:s19], $0x1400  }
0x36: {  	[sflag:s19] =	ssyncset.done $0x0  }
0x37: {  	[sflag:s19] =	ssyncadd.s32 $0xFFFFEC00  }
0x38: {  	[tilespmem:s20], [sflag:$0x3] =	stream.linear.gather [hbm4b:s12+s29], $0x1400, $0x38;
	[tilespmem:$0x1E480] =	vst v63  }
0x39: {  	_ =	swait.ge [sflag:s19], $0x1400  }
0x3a: {  	[sflag:s19] =	ssyncset.done $0x0  }
0x3b: {  	[sflag:s19] =	ssyncadd.s32 $0xFFFFEC00  }
0x3c: {  	_ =	swait.ge [sflag:s21], $0x4000  }
0x3d: {  	[sflag:s21] =	ssyncset.done $0x0  }
0x3e: {  	[sflag:s21] =	ssyncadd.s32 $0xFFFFC000  }
0x3f: {  	_ =	swait.ge [sflag:s21], $0x4000  }
0x40: {  	[sflag:s21] =	ssyncset.done $0x0  }
0x41: {  	[sflag:s21] =	ssyncadd.s32 $0xFFFFC000  }
0x42: {  	_ =	swait.ge [sflag:s21], $0x4000  }
0x43: {  	[sflag:s21] =	ssyncset.done $0x0  }
0x44: {  	[sflag:s21] =	ssyncadd.s32 $0xFFFFC000  }
0x45: {  	_ =	swait.ge [sflag:s21], $0x4000  }
0x46: {  	[sflag:s21] =	ssyncset.done $0x0  }
0x47: {  	[sflag:s21] =	ssyncadd.s32 $0xFFFFC000  }
0x48: {  	_ =	swait.ge [sflag:s21], $0x3800  }
0x49: {  	[sflag:s21] =	ssyncset.done $0x0  }
0x4a: {  	[sflag:s21] =	ssyncadd.s32 $0xFFFFC800  }
0x4b: {  	[bflag:$0x0] =	sbarrier.arrive $0xFFFF  }
0x4c: {  	[tilespmem:s18], [sflag:$0x1] =	stream.indirect.gather [hbm4b:s4+s22], $0x80, s29, s22, $0xb8;
	[tilespmem:$0x1E480] =	vst v63  }
0x4d: {  	s29 =	simm.s32 $0x80  }
0x4e: {  	[tilespmem:s23], [sflag:$0x2] =	stream.indirect.gather [hbm4b:s4+s22], $0x80, s29, s22, $0xb8;
	[tilespmem:$0x1E480] =	vst v63  }
0x4f: {  	_ =	swait.ge [sflag:s21], $0x4000  }
0x50: {  	[sflag:s21] =	ssyncset.done $0x0  }
0x51: {  	s29 =	simm.s32 $0x1400;
	[sflag:s21] =	ssyncadd.s32 $0xFFFFC000  }
0x52: {  	[spmem:s1] =	stream.indirect.scatter.add.f32 [tilespmem:s18], [sflag:$0x3], $0x80, s29, s22, $0xb8;
	[tilespmem:$0x1E480] =	vst v63  }
0x53: {  	_ =	swait.ge [sflag:s19], $0x4000  }
0x54: {  	[sflag:s19] =	ssyncset.done $0x0  }
0x55: {  	s29 =	simm.s32 $0x100;
	[sflag:s19] =	ssyncadd.s32 $0xFFFFC000  }
0x56: {  	[tilespmem:s18], [sflag:$0x1] =	stream.indirect.gather [hbm4b:s4+s22], $0x80, s29, s22, $0xb8;
	[tilespmem:$0x1E480] =	vst v63  }
0x57: {  	_ =	swait.ge [sflag:s24], $0x4000  }
0x58: {  	[sflag:s24] =	ssyncset.done $0x0  }
0x59: {  	s29 =	simm.s32 $0x1480;
	[sflag:s24] =	ssyncadd.s32 $0xFFFFC000  }
0x5a: {  	[spmem:s1] =	stream.indirect.scatter.add.f32 [tilespmem:s23], [sflag:$0x3], $0x80, s29, s22, $0xb8;
	[tilespmem:$0x1E480] =	vst v63  }
0x5b: {  	_ =	swait.ge [sflag:s19], $0x4000  }
0x5c: {  	s30 =	simm.s32 $0x800;
	s29 =	simm.s32 $0x100;
	[sflag:s19] =	ssyncset.done $0x0  }
.LBB2_4:
0x5d: {  	s31 =	sadd.s32 $0x80, s29  }
0x5e: {  	[sflag:s19] =	ssyncadd.s32 $0xFFFFC000;
	s0 =	smov.u32 s30;
	s3 =	sadd.s32 $0x400, s30  }
0x5f: {  	[tilespmem:s23], [sflag:$0x2] =	stream.indirect.gather [hbm4b:s4+s22], $0x80, s31, s22, $0xb8;
	[tilespmem:$0x1E480] =	vst v63  }
0x60: {  	p1 =	sne.s32 s30, $0x4800;
	_ =	swait.ge [sflag:s21], $0x4000  }
0x61: {  	[sflag:s21] =	ssyncset.done $0x0  }
0x62: {  	s30 =	sadd.s32 $0x1400, s29;
	[sflag:s21] =	ssyncadd.s32 $0xFFFFC000  }
0x63: {  	[spmem:s1] =	stream.indirect.scatter.add.f32 [tilespmem:s18], [sflag:$0x3], $0x80, s30, s22, $0xb8;
	[tilespmem:$0x1E480] =	vst v63  }
0x64: {  	_ =	swait.ge [sflag:s19], $0x4000  }
0x65: {  	[sflag:s19] =	ssyncset.done $0x0  }
0x66: {  	s30 =	sadd.s32 $0x100, s29;
	[sflag:s19] =	ssyncadd.s32 $0xFFFFC000  }
0x67: {  	[tilespmem:s18], [sflag:$0x1] =	stream.indirect.gather [hbm4b:s4+s22], $0x80, s30, s22, $0xb8;
	[tilespmem:$0x1E480] =	vst v63  }
0x68: {  	_ =	swait.ge [sflag:s24], $0x4000  }
.Ltmp1:
0x69: {  	[sflag:s24] =	ssyncset.done $0x0;
	(pc) =	sbr.rel @p1 .LBB2_4-.Ltmp1, $4  }
0x6a: {  	s29 =	sadd.s32 $0x1480, s29;
	[sflag:s24] =	ssyncadd.s32 $0xFFFFC000  }
0x6b: {  	[spmem:s1] =	stream.indirect.scatter.add.f32 [tilespmem:s23], [sflag:$0x3], $0x80, s29, s22, $0xb8;
	[tilespmem:$0x1E480] =	vst v63  }
0x6c: {  	_ =	swait.ge [sflag:s19], $0x4000  }
0x6d: {  	s30 =	smov.u32 s3;
	s29 =	sshra.s32 s0, $0x2;
	[sflag:s19] =	ssyncset.done $0x0  }
0x6e: {  	s0 =	sadd.s32 $0x80, s29;
	[sflag:s19] =	ssyncadd.s32 $0xFFFFC000  }
0x6f: {  	[tilespmem:s23], [sflag:$0x2] =	stream.indirect.gather [hbm4b:s4+s22], $0x80, s0, s22, $0xb8;
	[tilespmem:$0x1E480] =	vst v63  }
0x70: {  	_ =	swait.ge [sflag:s21], $0x4000  }
0x71: {  	[sflag:s21] =	ssyncset.done $0x0  }
0x72: {  	s3 =	sadd.s32 $0x1400, s29;
	[sflag:s21] =	ssyncadd.s32 $0xFFFFC000  }
0x73: {  	[spmem:s1] =	stream.indirect.scatter.add.f32 [tilespmem:s18], [sflag:$0x3], $0x80, s3, s22, $0xb8;
	[tilespmem:$0x1E480] =	vst v63  }
0x74: {  	_ =	swait.ge [sflag:s19], $0x4000  }
0x75: {  	[sflag:s19] =	ssyncset.done $0x0  }
0x76: {  	s31 =	sadd.s32 $0x100, s29;
	[sflag:s19] =	ssyncadd.s32 $0xFFFFC000  }
0x77: {  	[tilespmem:s18], [sflag:$0x1] =	stream.indirect.gather [hbm4b:s4+s22], $0x80, s31, s22, $0xb8;
	[tilespmem:$0x1E480] =	vst v63  }
0x78: {  	_ =	swait.ge [sflag:s24], $0x4000  }
0x79: {  	[sflag:s24] =	ssyncset.done $0x0  }
0x7a: {  	s3 =	sadd.s32 $0x1480, s29;
	[sflag:s24] =	ssyncadd.s32 $0xFFFFC000  }
0x7b: {  	[spmem:s1] =	stream.indirect.scatter.add.f32 [tilespmem:s23], [sflag:$0x3], $0x80, s3, s22, $0xb8;
	[tilespmem:$0x1E480] =	vst v63  }
0x7c: {  	_ =	swait.ge [sflag:s19], $0x4000  }
0x7d: {  	[sflag:s19] =	ssyncset.done $0x0  }
0x7e: {  	[sflag:s19] =	ssyncadd.s32 $0xFFFFC000  }
0x7f: {  	[tilespmem:s23], [sflag:$0x2] =	stream.indirect.gather [hbm4b:s4+s22], $0x80, s25, s22, $0xb8;
	[tilespmem:$0x1E480] =	vst v63  }
0x80: {  	_ =	swait.ge [sflag:s21], $0x4000  }
0x81: {  	[sflag:s21] =	ssyncset.done $0x0  }
0x82: {  	[sflag:s21] =	ssyncadd.s32 $0xFFFFC000  }
0x83: {  	[spmem:s1] =	stream.indirect.scatter.add.f32 [tilespmem:s18], [sflag:$0x3], $0x80, s26, s22, $0xb8;
	[tilespmem:$0x1E480] =	vst v63  }
0x84: {  	_ =	swait.ge [sflag:s19], $0x4000  }
0x85: {  	[sflag:s19] =	ssyncset.done $0x0  }
0x86: {  	[sflag:s19] =	ssyncadd.s32 $0xFFFFC000  }
0x87: {  	_ =	swait.ge [sflag:s24], $0x4000  }
0x88: {  	[sflag:s24] =	ssyncset.done $0x0  }
0x89: {  	[sflag:s24] =	ssyncadd.s32 $0xFFFFC000  }
0x8a: {  	[spmem:s1] =	stream.indirect.scatter.add.f32 [tilespmem:s23], [sflag:$0x3], $0x80, s28, s22, $0xb8;
	[tilespmem:$0x1E480] =	vst v63  }
0x8b: {  	_ =	swait.ge [sflag:s19], $0x4000  }
0x8c: {  	[sflag:s19] =	ssyncset.done $0x0  }
0x8d: {  	s31 =	simm.s32 $0x0;
	[sflag:s19] =	ssyncadd.s32 $0xFFFFC000  }
0x8e: {  	[tilespmem:s31], [sflag:$0x3] =	stream.linear.gather [hbm4b:s13+s31], $0x1400, $0x38;
	[tilespmem:$0x1E480] =	vst v63  }
0x8f: {  	_ =	swait.ge [sflag:s19], $0x1400  }
0x90: {  	[sflag:s19] =	ssyncset.done $0x0  }
0x91: {  	[sflag:s19] =	ssyncadd.s32 $0xFFFFEC00  }
0x92: {  	[tilespmem:s20], [sflag:$0x3] =	stream.linear.gather [hbm4b:s14+s31], $0x1400, $0x38;
	[tilespmem:$0x1E480] =	vst v63  }
0x93: {  	_ =	swait.ge [sflag:s19], $0x1400  }
0x94: {  	[sflag:s19] =	ssyncset.done $0x0  }
0x95: {  	[sflag:s19] =	ssyncadd.s32 $0xFFFFEC00  }
0x96: {  	[tilespmem:s18], [sflag:$0x1] =	stream.indirect.gather [hbm4b:s4+s22], $0x80, s31, s22, $0xb8;
	[tilespmem:$0x1E480] =	vst v63  }
0x97: {  	s3 =	simm.s32 $0x80  }
0x98: {  	[tilespmem:s23], [sflag:$0x2] =	stream.indirect.gather [hbm4b:s4+s22], $0x80, s3, s22, $0xb8;
	[tilespmem:$0x1E480] =	vst v63  }
0x99: {  	_ =	swait.ge [sflag:s21], $0x4000  }
0x9a: {  	[sflag:s21] =	ssyncset.done $0x0  }
0x9b: {  	s31 =	simm.s32 $0x1400;
	[sflag:s21] =	ssyncadd.s32 $0xFFFFC000  }
0x9c: {  	[spmem:s1] =	stream.indirect.scatter.add.f32 [tilespmem:s18], [sflag:$0x3], $0x80, s31, s22, $0xb8;
	[tilespmem:$0x1E480] =	vst v63  }
0x9d: {  	_ =	swait.ge [sflag:s19], $0x4000  }
0x9e: {  	[sflag:s19] =	ssyncset.done $0x0  }
0x9f: {  	s3 =	simm.s32 $0x100;
	[sflag:s19] =	ssyncadd.s32 $0xFFFFC000  }
0xa0: {  	[tilespmem:s18], [sflag:$0x1] =	stream.indirect.gather [hbm4b:s4+s22], $0x80, s3, s22, $0xb8;
	[tilespmem:$0x1E480] =	vst v63  }
0xa1: {  	_ =	swait.ge [sflag:s24], $0x4000  }
0xa2: {  	[sflag:s24] =	ssyncset.done $0x0  }
0xa3: {  	s31 =	simm.s32 $0x1480;
	[sflag:s24] =	ssyncadd.s32 $0xFFFFC000  }
0xa4: {  	[spmem:s1] =	stream.indirect.scatter.add.f32 [tilespmem:s23], [sflag:$0x3], $0x80, s31, s22, $0xb8;
	[tilespmem:$0x1E480] =	vst v63  }
0xa5: {  	_ =	swait.ge [sflag:s19], $0x4000  }
0xa6: {  	s30 =	simm.s32 $0x800;
	s29 =	simm.s32 $0x100;
	[sflag:s19] =	ssyncset.done $0x0  }
.LBB2_6:
0xa7: {  	s0 =	sadd.s32 $0x80, s29  }
0xa8: {  	[sflag:s19] =	ssyncadd.s32 $0xFFFFC000;
	s3 =	smov.u32 s30;
	s31 =	sadd.s32 $0x400, s30  }
0xa9: {  	[tilespmem:s23], [sflag:$0x2] =	stream.indirect.gather [hbm4b:s4+s22], $0x80, s0, s22, $0xb8;
	[tilespmem:$0x1E480] =	vst v63  }
0xaa: {  	p1 =	sne.s32 s30, $0x4800;
	_ =	swait.ge [sflag:s21], $0x4000  }
0xab: {  	[sflag:s21] =	ssyncset.done $0x0  }
0xac: {  	s0 =	sadd.s32 $0x1400, s29;
	[sflag:s21] =	ssyncadd.s32 $0xFFFFC000  }
0xad: {  	[spmem:s1] =	stream.indirect.scatter.add.f32 [tilespmem:s18], [sflag:$0x3], $0x80, s0, s22, $0xb8;
	[tilespmem:$0x1E480] =	vst v63  }
0xae: {  	_ =	swait.ge [sflag:s19], $0x4000  }
0xaf: {  	[sflag:s19] =	ssyncset.done $0x0  }
0xb0: {  	s0 =	sadd.s32 $0x100, s29;
	[sflag:s19] =	ssyncadd.s32 $0xFFFFC000  }
0xb1: {  	[tilespmem:s18], [sflag:$0x1] =	stream.indirect.gather [hbm4b:s4+s22], $0x80, s0, s22, $0xb8;
	[tilespmem:$0x1E480] =	vst v63  }
0xb2: {  	_ =	swait.ge [sflag:s24], $0x4000  }
.Ltmp2:
0xb3: {  	[sflag:s24] =	ssyncset.done $0x0;
	(pc) =	sbr.rel @p1 .LBB2_6-.Ltmp2, $4  }
0xb4: {  	s0 =	sadd.s32 $0x1480, s29;
	[sflag:s24] =	ssyncadd.s32 $0xFFFFC000  }
0xb5: {  	[spmem:s1] =	stream.indirect.scatter.add.f32 [tilespmem:s23], [sflag:$0x3], $0x80, s0, s22, $0xb8;
	[tilespmem:$0x1E480] =	vst v63  }
0xb6: {  	_ =	swait.ge [sflag:s19], $0x4000  }
0xb7: {  	s30 =	smov.u32 s31;
	s29 =	sshra.s32 s3, $0x2;
	[sflag:s19] =	ssyncset.done $0x0  }
0xb8: {  	s0 =	sadd.s32 $0x80, s29;
	[sflag:s19] =	ssyncadd.s32 $0xFFFFC000  }
0xb9: {  	[tilespmem:s23], [sflag:$0x2] =	stream.indirect.gather [hbm4b:s4+s22], $0x80, s0, s22, $0xb8;
	[tilespmem:$0x1E480] =	vst v63  }
0xba: {  	_ =	swait.ge [sflag:s21], $0x4000  }
0xbb: {  	[sflag:s21] =	ssyncset.done $0x0  }
0xbc: {  	s31 =	sadd.s32 $0x1400, s29;
	[sflag:s21] =	ssyncadd.s32 $0xFFFFC000  }
0xbd: {  	[spmem:s1] =	stream.indirect.scatter.add.f32 [tilespmem:s18], [sflag:$0x3], $0x80, s31, s22, $0xb8;
	[tilespmem:$0x1E480] =	vst v63  }
0xbe: {  	_ =	swait.ge [sflag:s19], $0x4000  }
0xbf: {  	[sflag:s19] =	ssyncset.done $0x0  }
0xc0: {  	s3 =	sadd.s32 $0x100, s29;
	[sflag:s19] =	ssyncadd.s32 $0xFFFFC000  }
0xc1: {  	[tilespmem:s18], [sflag:$0x1] =	stream.indirect.gather [hbm4b:s4+s22], $0x80, s3, s22, $0xb8;
	[tilespmem:$0x1E480] =	vst v63  }
0xc2: {  	_ =	swait.ge [sflag:s24], $0x4000  }
0xc3: {  	[sflag:s24] =	ssyncset.done $0x0  }
0xc4: {  	s30 =	sadd.s32 $0x1480, s29;
	[sflag:s24] =	ssyncadd.s32 $0xFFFFC000  }
0xc5: {  	[spmem:s1] =	stream.indirect.scatter.add.f32 [tilespmem:s23], [sflag:$0x3], $0x80, s30, s22, $0xb8;
	[tilespmem:$0x1E480] =	vst v63  }
0xc6: {  	_ =	swait.ge [sflag:s19], $0x4000  }
0xc7: {  	[sflag:s19] =	ssyncset.done $0x0  }
0xc8: {  	[sflag:s19] =	ssyncadd.s32 $0xFFFFC000  }
0xc9: {  	[tilespmem:s23], [sflag:$0x2] =	stream.indirect.gather [hbm4b:s4+s22], $0x80, s25, s22, $0xb8;
	[tilespmem:$0x1E480] =	vst v63  }
0xca: {  	_ =	swait.ge [sflag:s21], $0x4000  }
0xcb: {  	[sflag:s21] =	ssyncset.done $0x0  }
0xcc: {  	[sflag:s21] =	ssyncadd.s32 $0xFFFFC000  }
0xcd: {  	[spmem:s1] =	stream.indirect.scatter.add.f32 [tilespmem:s18], [sflag:$0x3], $0x80, s26, s22, $0xb8;
	[tilespmem:$0x1E480] =	vst v63  }
0xce: {  	_ =	swait.ge [sflag:s19], $0x4000  }
0xcf: {  	[sflag:s19] =	ssyncset.done $0x0  }
0xd0: {  	[sflag:s19] =	ssyncadd.s32 $0xFFFFC000  }
0xd1: {  	_ =	swait.ge [sflag:s24], $0x4000  }
0xd2: {  	[sflag:s24] =	ssyncset.done $0x0  }
0xd3: {  	[sflag:s24] =	ssyncadd.s32 $0xFFFFC000  }
0xd4: {  	[spmem:s1] =	stream.indirect.scatter.add.f32 [tilespmem:s23], [sflag:$0x3], $0x80, s28, s22, $0xb8;
	[tilespmem:$0x1E480] =	vst v63  }
0xd5: {  	_ =	swait.ge [sflag:s19], $0x4000  }
0xd6: {  	s31 =	stileid.u32;
	[sflag:s19] =	ssyncset.done $0x0  }
0xd7: {  	s0 =	sshll.u32 s31, $0x6;
	[sflag:s19] =	ssyncadd.s32 $0xFFFFC000  }
0xd8: {  	s0 =	sor.u32 $0x1C03, s0;
	s3 =	sshrl.u32 s5, $0x3;
	[bflag:$0x0] =	sbarrier.arrive $0xFFFF  }
0xd9: {  	[hbm:s15], [sflag:s0] =	dma.local [spmem:s3], $0x2700  }
0xda: {  	_ =	swait.ge [sflag:s19], $0x2700  }
0xdb: {  	s2 =	sadd.s32 $0x1, s2;
	[sflag:s19] =	ssyncset.done $0x0  }
0xdc: {  	p1 =	sne.s32 s2, s17;
	s3 =	sshrl.u32 @!p0 s10, $0x3;
	[sflag:s19] =	ssyncadd.s32 $0xFFFFD900  }
0xdd: {  	[hbm:s16], [sflag:s0] =	dma.local @!p0 [spmem:s3], $0x100  }
.Ltmp3:
0xde: {  	_ = 	snop;
	(pc) =	sbr.rel @p1 .LBB2_1-.Ltmp3, $4  }
0xdf: {  	s0 =	simm.s32 @!p0 $0x3  }
0xe0: {  	_ =	swait.ge @!p0 [sflag:s0], $0x100  }
0xe1: {  	[sflag:s0] =	ssyncset.done @!p0 $0x0  }
0xe2: {  	[sflag:s0] =	ssyncadd.s32 @!p0 $0xFFFFFF00  }
0xe3: {  	_ =	sfence.sel $0x180000  }
0xe4: {  	[bflag:$0x0] =	sbarrier.arrive $0xFFFF  }
0xe5: {  	_ =	strace $0x90000047  }
0xe6: {  	[bflag:$0x2] =	sbarrier.arrive $0xFFFF  }
0xe7: {  	s0 =	rddreg [dreg:$0x3]  }
0xe8: {  	s0 =	sadd.s32 @!p0 $0x100000, s0  }
0xe9: {  	[sflag:s0] =	ssyncadd.tile.s32 @!p0 $0x1;
	_ =	shalt  }
.Lfunc_end2:
_tile_overlayer_lowered:
.L_overlay_start_2:
0xea: {  	(tag) =	ssettag $0x2  }
0xeb: {  	s0 =	rddreg [dreg:$0x0];
	s2 =	stileid.u32  }
0xec: {  	s1 =	rddreg [dreg:$0x1];
	p0 =	sne.s32 s2, $0x0  }
0xed: {  	s3 =	rddreg [dreg:$0x2];
	[bflag:$0x3] =	sbarrier.arrive $0xFFFF;
	s2 =	simm.s32 @!p0 $0x1C03  }
0xee: {  	[timem:s3], [sflag:s2] =	dma.local @!p0 [hbm:s0], s1  }
0xef: {  	s0 =	simm.s32 @!p0 $0x3  }
0xf0: {  	_ =	swait.ge @!p0 [sflag:s0], s1  }
0xf1: {  	s1 =	ssub.s32 @!p0 $0x0, s1;
	[sflag:s0] =	ssyncset.done @!p0 $0x0  }
0xf2: {  	[sflag:s0] =	ssyncadd.s32 @!p0 s1  }
0xf3: {  	[bflag:$0x3] =	sbarrier.arrive $0xFFFF  }
0xf4: {  	_ =	shalt  }

</sc_bundles>
